<compile_context>
chip_gen: v7x
topology: tpu7x:2x2x1
jax: 0.10.2.dev20260603
libtpu: 0.0.44.dev20260713+nightly
codegen_flags: <defaults>
</compile_context>

<pallas_src>
import functools

import jax
import jax.numpy as jnp
from jax import lax
from jax.experimental import pallas as pl
from jax.experimental.pallas import tpu as pltpu, tpu_sc as plsc

BATCH = 16384
N_CAT = 26
N_DENSE = 13
NW = 32
ROWS_W = BATCH // NW
IDX_W = ROWS_W * N_CAT
CH = ROWS_W // 16
DEN_W = ROWS_W * N_DENSE
VOCAB = 1000000
SPLIT = 2
SHARD = VOCAB // SPLIT

_mesh = plsc.VectorSubcoreMesh(core_axis_name="c", subcore_axis_name="s")


@functools.partial(
    pl.kernel,
    out_type=jax.ShapeDtypeStruct((BATCH,), jnp.float32),
    mesh=_mesh,
    compiler_params=pltpu.CompilerParams(
        use_tc_tiling_on_sc=False, needs_layout_passes=False
    ),
    scratch_types=[
        [pltpu.VMEM((IDX_W,), jnp.int32) for _ in range(SPLIT)],
        pltpu.VMEM((IDX_W,), jnp.float32),
        pltpu.VMEM((DEN_W,), jnp.float32),
        pltpu.VMEM((N_CAT + N_DENSE + 1, 16), jnp.float32),
        pltpu.VMEM((ROWS_W,), jnp.float32),
        pltpu.SemaphoreType.DMA,
        pltpu.SemaphoreType.DMA,
        pltpu.SemaphoreType.DMA,
    ],
)
def _criteo_sc(idx0_hbm, idx1_hbm, dense_hbm,
               t0_hbm, t1_hbm, wb_hbm, out_hbm,
               idx_vs, vals_v, dense_v, wb_v, out_v, sem_i, sem_s, sem_g):
    wid = lax.axis_index("s") * 2 + lax.axis_index("c")

    idx_hbms = (idx0_hbm, idx1_hbm)
    t_hbms = (t0_hbm, t1_hbm)
    cp_is = [
        pltpu.async_copy(h.at[pl.ds(wid * IDX_W, IDX_W)], v, sem_i)
        for h, v in zip(idx_hbms, idx_vs)
    ]
    cp_w = pltpu.async_copy(wb_hbm, wb_v, sem_s)
    cp_d = pltpu.async_copy(dense_hbm.at[pl.ds(wid * DEN_W, DEN_W)], dense_v, sem_s)

    cp_gs = []
    for k in range(SPLIT):
        cp_is[k].wait()
        cp_gs.append(
            pltpu.async_copy(
                t_hbms[k].at[plsc.Indices(idx_vs[k], ignored_value=-1)],
                vals_v,
                sem_g,
            )
        )
    cp_w.wait()
    cp_d.wait()
    for cp in cp_gs:
        cp.wait()

    iota = lax.iota(jnp.int32, 16)
    i26 = iota * N_CAT
    i13 = iota * N_DENSE

    def chunk(c, carry):
        c16 = pl.multiple_of(c * 16, 16)
        acc = wb_v[N_CAT + N_DENSE]
        base26 = c * (16 * N_CAT)
        base13 = c * (16 * N_DENSE)
        for f in range(N_CAT):
            v = plsc.load_gather(vals_v, [i26 + (base26 + f)])
            acc = acc + v * wb_v[f]
        for d in range(N_DENSE):
            dv = plsc.load_gather(dense_v, [i13 + (base13 + d)])
            acc = acc + dv * wb_v[N_CAT + d]
        out_v[pl.ds(c16, 16)] = 1.0 / (1.0 + jnp.exp(-acc))
        return carry

    lax.fori_loop(0, CH, chunk, 0)

    pltpu.sync_copy(out_v, out_hbm.at[pl.ds(wid * ROWS_W, ROWS_W)])


def kernel(cat_indices, dense_features, emb_table, W, b):
    idx_t = cat_indices.reshape(-1)
    dense_flat = dense_features.reshape(-1)
    idx_parts = [
        jnp.where(
            (idx_t >= k * SHARD) & (idx_t < (k + 1) * SHARD), idx_t - k * SHARD, -1
        )
        for k in range(SPLIT)
    ]
    tables = [emb_table[k * SHARD:(k + 1) * SHARD, 0] for k in range(SPLIT)]
    wb = jnp.concatenate([W.reshape(-1), b])
    wb_b = jnp.broadcast_to(wb[:, None], (N_CAT + N_DENSE + 1, 16))
    out = _criteo_sc(*idx_parts, dense_flat, *tables, wb_b)
    return out.reshape(BATCH, 1, 1)

# --- scband reference (transcript-rebuilt; emitter-appended) ---
"""Pipeline reference for scband-criteo-lr-44074954391852 (READ-ONLY COPY).

The authoritative reference and input builder live on the scoring server;
editing this copy changes nothing except your own understanding.
"""

import jax, jax.numpy as jnp
import numpy as np

VOCAB = 1000000
BATCH = 16384
N_CAT = 26
N_DENSE = 13
EMB_DIM = 1


def setup_inputs(seed: int = 0) -> dict:
    key = jax.random.key(seed)
    k1, k2, k3, k4, k5 = jax.random.split(key, 5)
    cat_indices = jax.random.randint(k1, (BATCH, N_CAT), 0, VOCAB, dtype=jnp.int32)
    dense_features = jax.random.normal(k2, (BATCH, N_DENSE), dtype=jnp.float32)
    # embeddings_initializer is Zeros in the original; use small random values so the
    # reference computation is non-degenerate (same math, nonzero params).
    emb_table = jax.random.normal(k3, (VOCAB, EMB_DIM), dtype=jnp.float32) * 0.01
    # Dense(1, activation='sigmoid') over the concatenated 26 + 13 = 39 fields
    W = jax.random.normal(k4, (N_CAT + N_DENSE, 1), dtype=jnp.float32) * 0.05
    b = jnp.zeros((1,), dtype=jnp.float32)
    return {"cat_indices": cat_indices, "dense_features": dense_features,
            "emb_table": emb_table, "W": W, "b": b}


def reference(cat_indices, dense_features, emb_table, W, b):
    # Each categorical field C*: shared embedding lookup -> [B, 1, 1] per field
    emb = jnp.take(emb_table, cat_indices, axis=0)          # [B, 26, 1]
    emb_fields = jnp.transpose(emb, (0, 2, 1))               # [B, 1, 26]
    # Each dense field I*: tf.reshape(tensor, [-1, 1, 1]) -> [B, 1, 1] per field
    dense_fields = dense_features[:, None, :]                # [B, 1, 13]
    # Concatenate(axis=-1) over all 39 fields
    concat = jnp.concatenate([emb_fields, dense_fields], axis=-1)  # [B, 1, 39]
    # Dense(1, activation='sigmoid')
    logits = jnp.einsum('bsf,fo->bso', concat, W) + b        # [B, 1, 1]
    return jax.nn.sigmoid(logits)

if __name__ == "__main__":
    import jax
    _d = setup_inputs()
    print(jax.jit(kernel)(*tuple(_d.values())))

</pallas_src>

<mosaic_0001>
#map = affine_map<(d0, d1) -> (0)>
#map1 = affine_map<(d0, d1) -> (0, 0)>
module attributes {stable_mosaic.version = 14 : i64} {
  func.func @_criteo_sc(%arg0: i32, %arg1: i32, %arg2: memref<425984xi32, #tpu.memory_space<hbm>>, %arg3: memref<425984xi32, #tpu.memory_space<hbm>>, %arg4: memref<212992xf32, #tpu.memory_space<hbm>>, %arg5: memref<500000xf32, #tpu.memory_space<hbm>>, %arg6: memref<500000xf32, #tpu.memory_space<hbm>>, %arg7: memref<40x16xf32, #tpu.memory_space<hbm>>, %arg8: memref<16384xf32, #tpu.memory_space<hbm>>, %arg9: memref<13312xi32, #tpu.memory_space<vmem>>, %arg10: memref<13312xi32, #tpu.memory_space<vmem>>, %arg11: memref<13312xf32, #tpu.memory_space<vmem>>, %arg12: memref<6656xf32, #tpu.memory_space<vmem>>, %arg13: memref<40x16xf32, #tpu.memory_space<vmem>>, %arg14: memref<512xf32, #tpu.memory_space<vmem>>, %arg15: memref<!tpu.dma_semaphore, #tpu.memory_space<semaphore_mem>>, %arg16: memref<!tpu.dma_semaphore, #tpu.memory_space<semaphore_mem>>, %arg17: memref<!tpu.dma_semaphore, #tpu.memory_space<semaphore_mem>>) attributes {dimension_semantics = [#tpu.dimension_semantics<core_parallel>, #tpu.dimension_semantics<subcore_parallel>], iteration_bounds = array<i64: 2, 16>, scalar_prefetch = 0 : i64, scratch_operands = 9 : i64, tpu.core_type = #tpu.core_type<sc_vector_subcore>, window_params = [{transform_indices = #map}, {transform_indices = #map}, {transform_indices = #map}, {transform_indices = #map}, {transform_indices = #map}, {transform_indices = #map1}, {transform_indices = #map}]} {
    %mul3A = arith.constant 2 : i32
    %mul3A_0 = arith.muli %arg1, %mul3A : i32
    %add3A = arith.addi %mul3A_0, %arg0 : i32
    %mul3A_1 = arith.constant 13312 : i32
    %mul3A_2 = arith.muli %add3A, %mul3A_1 : i32
    %dma_start3A = tpu.memref_slice %arg2[%mul3A_2] : memref<425984xi32, #tpu.memory_space<hbm>> -> memref<13312xi32, #tpu.memory_space<hbm>>
    %dma_start3A_3 = tpu.memref_slice %arg2[%mul3A_2] : memref<425984xi32, #tpu.memory_space<hbm>> -> memref<13312xi32, #tpu.memory_space<hbm>>
    tpu.enqueue_dma source(%dma_start3A_3 : memref<13312xi32, #tpu.memory_space<hbm>>) target(%arg9 : memref<13312xi32, #tpu.memory_space<vmem>>) target_semaphore(%arg15 : memref<!tpu.dma_semaphore, #tpu.memory_space<semaphore_mem>>)
    %mul3A_4 = arith.constant 13312 : i32
    %mul3A_5 = arith.muli %add3A, %mul3A_4 : i32
    %dma_start3A_6 = tpu.memref_slice %arg3[%mul3A_5] : memref<425984xi32, #tpu.memory_space<hbm>> -> memref<13312xi32, #tpu.memory_space<hbm>>
    %dma_start3A_7 = tpu.memref_slice %arg3[%mul3A_5] : memref<425984xi32, #tpu.memory_space<hbm>> -> memref<13312xi32, #tpu.memory_space<hbm>>
    tpu.enqueue_dma source(%dma_start3A_7 : memref<13312xi32, #tpu.memory_space<hbm>>) target(%arg10 : memref<13312xi32, #tpu.memory_space<vmem>>) target_semaphore(%arg15 : memref<!tpu.dma_semaphore, #tpu.memory_space<semaphore_mem>>)
    tpu.enqueue_dma source(%arg7 : memref<40x16xf32, #tpu.memory_space<hbm>>) target(%arg13 : memref<40x16xf32, #tpu.memory_space<vmem>>) target_semaphore(%arg16 : memref<!tpu.dma_semaphore, #tpu.memory_space<semaphore_mem>>)
    %mul3A_8 = arith.constant 6656 : i32
    %mul3A_9 = arith.muli %add3A, %mul3A_8 : i32
    %dma_start3A_10 = tpu.memref_slice %arg4[%mul3A_9] : memref<212992xf32, #tpu.memory_space<hbm>> -> memref<6656xf32, #tpu.memory_space<hbm>>
    %dma_start3A_11 = tpu.memref_slice %arg4[%mul3A_9] : memref<212992xf32, #tpu.memory_space<hbm>> -> memref<6656xf32, #tpu.memory_space<hbm>>
    tpu.enqueue_dma source(%dma_start3A_11 : memref<6656xf32, #tpu.memory_space<hbm>>) target(%arg12 : memref<6656xf32, #tpu.memory_space<vmem>>) target_semaphore(%arg16 : memref<!tpu.dma_semaphore, #tpu.memory_space<semaphore_mem>>)
    %dma_wait3A = tpu.memref_slice %arg2[%mul3A_2] : memref<425984xi32, #tpu.memory_space<hbm>> -> memref<13312xi32, #tpu.memory_space<hbm>>
    %dma_wait3A_12 = tpu.memref_slice %arg2[%mul3A_2] : memref<425984xi32, #tpu.memory_space<hbm>> -> memref<13312xi32, #tpu.memory_space<hbm>>
    tpu.wait_dma2 semaphore(%arg15 : memref<!tpu.dma_semaphore, #tpu.memory_space<semaphore_mem>>) src(%dma_wait3A_12 : memref<13312xi32, #tpu.memory_space<hbm>>) dst(%arg9 : memref<13312xi32, #tpu.memory_space<vmem>>)
    %dma_start3A_13 = arith.constant 0 : i32
    %dma_start3A_14 = tpu.memref_slice %arg5[%dma_start3A_13] : memref<500000xf32, #tpu.memory_space<hbm>> -> memref<500000xf32, #tpu.memory_space<hbm>>
    %dma_start3A_15 = arith.constant -1 : i32
    tpu.enqueue_indirect_dma source(%dma_start3A_14 : memref<500000xf32, #tpu.memory_space<hbm>>) target(%arg11 : memref<13312xf32, #tpu.memory_space<vmem>>) offsets(%arg9 : memref<13312xi32, #tpu.memory_space<vmem>>) offset_filter(%dma_start3A_15) semaphore(%arg17 : memref<!tpu.dma_semaphore, #tpu.memory_space<semaphore_mem>>)
    %dma_wait3A_16 = tpu.memref_slice %arg3[%mul3A_5] : memref<425984xi32, #tpu.memory_space<hbm>> -> memref<13312xi32, #tpu.memory_space<hbm>>
    %dma_wait3A_17 = tpu.memref_slice %arg3[%mul3A_5] : memref<425984xi32, #tpu.memory_space<hbm>> -> memref<13312xi32, #tpu.memory_space<hbm>>
    tpu.wait_dma2 semaphore(%arg15 : memref<!tpu.dma_semaphore, #tpu.memory_space<semaphore_mem>>) src(%dma_wait3A_17 : memref<13312xi32, #tpu.memory_space<hbm>>) dst(%arg10 : memref<13312xi32, #tpu.memory_space<vmem>>)
    %dma_start3A_18 = arith.constant 0 : i32
    %dma_start3A_19 = tpu.memref_slice %arg6[%dma_start3A_18] : memref<500000xf32, #tpu.memory_space<hbm>> -> memref<500000xf32, #tpu.memory_space<hbm>>
    %dma_start3A_20 = arith.constant -1 : i32
    tpu.enqueue_indirect_dma source(%dma_start3A_19 : memref<500000xf32, #tpu.memory_space<hbm>>) target(%arg11 : memref<13312xf32, #tpu.memory_space<vmem>>) offsets(%arg10 : memref<13312xi32, #tpu.memory_space<vmem>>) offset_filter(%dma_start3A_20) semaphore(%arg17 : memref<!tpu.dma_semaphore, #tpu.memory_space<semaphore_mem>>)
    tpu.wait_dma2 semaphore(%arg16 : memref<!tpu.dma_semaphore, #tpu.memory_space<semaphore_mem>>) src(%arg7 : memref<40x16xf32, #tpu.memory_space<hbm>>) dst(%arg13 : memref<40x16xf32, #tpu.memory_space<vmem>>)
    %dma_wait3A_21 = tpu.memref_slice %arg4[%mul3A_9] : memref<212992xf32, #tpu.memory_space<hbm>> -> memref<6656xf32, #tpu.memory_space<hbm>>
    %dma_wait3A_22 = tpu.memref_slice %arg4[%mul3A_9] : memref<212992xf32, #tpu.memory_space<hbm>> -> memref<6656xf32, #tpu.memory_space<hbm>>
    tpu.wait_dma2 semaphore(%arg16 : memref<!tpu.dma_semaphore, #tpu.memory_space<semaphore_mem>>) src(%dma_wait3A_22 : memref<6656xf32, #tpu.memory_space<hbm>>) dst(%arg12 : memref<6656xf32, #tpu.memory_space<vmem>>)
    %dma_wait3A_23 = arith.constant 0 : i32
    %dma_wait3A_24 = tpu.memref_slice %arg5[%dma_wait3A_23] : memref<500000xf32, #tpu.memory_space<hbm>> -> memref<500000xf32, #tpu.memory_space<hbm>>
    tpu.wait_indirect_dma semaphore(%arg17 : memref<!tpu.dma_semaphore, #tpu.memory_space<semaphore_mem>>) src(%dma_wait3A_24 : memref<500000xf32, #tpu.memory_space<hbm>>) dst(%arg11 : memref<13312xf32, #tpu.memory_space<vmem>>)
    %dma_wait3A_25 = arith.constant 0 : i32
    %dma_wait3A_26 = tpu.memref_slice %arg6[%dma_wait3A_25] : memref<500000xf32, #tpu.memory_space<hbm>> -> memref<500000xf32, #tpu.memory_space<hbm>>
    tpu.wait_indirect_dma semaphore(%arg17 : memref<!tpu.dma_semaphore, #tpu.memory_space<semaphore_mem>>) src(%dma_wait3A_26 : memref<500000xf32, #tpu.memory_space<hbm>>) dst(%arg11 : memref<13312xf32, #tpu.memory_space<vmem>>)
    %iota3A = tpu.iota {dimensions = array<i32: 0>} : vector<16xi32>
    %mul3A_27 = arith.constant 26 : i32
    %mul3A_28 = vector.broadcast %mul3A_27 : i32 to vector<16xi32>
    %mul3A_29 = arith.muli %iota3A, %mul3A_28 : vector<16xi32>
    %mul3A_30 = arith.constant 13 : i32
    %mul3A_31 = vector.broadcast %mul3A_30 : i32 to vector<16xi32>
    %mul3A_32 = arith.muli %iota3A, %mul3A_31 : vector<16xi32>
    %scan3A = arith.constant 0 : i32
    %scan3A_33 = arith.constant 0 : i32
    %scan3A_34 = arith.constant 32 : i32
    %scan3A_35 = arith.addi %scan3A_33, %scan3A_34 : i32
    %scan3A_36 = arith.constant 1 : i32
    scf.for %scan3A_40 = %scan3A_33 to %scan3A_35 step %scan3A_36  : i32 {
      %mul3A_41 = arith.constant 16 : i32
      %mul3A_42 = arith.muli %scan3A_40, %mul3A_41 : i32
      %multiple_of3A = tpu.assume_multiple %mul3A_42, 16 : i32
      %get3A = arith.constant 39 : i32
      %get3A_43 = arith.index_cast %get3A : i32 to index
      %get3A_44 = arith.constant 0 : index
      %get3A_45 = tpu.vector_load %arg13[%get3A_43, %get3A_44] {strides = array<i32>} : memref<40x16xf32, #tpu.memory_space<vmem>>, vector<16xf32>,
      %mul3A_46 = arith.constant 416 : i32
      %mul3A_47 = arith.muli %scan3A_40, %mul3A_46 : i32
      %mul3A_48 = arith.constant 208 : i32
      %mul3A_49 = arith.muli %scan3A_40, %mul3A_48 : i32
      %add3A_50 = arith.constant 0 : i32
      %add3A_51 = arith.addi %mul3A_47, %add3A_50 : i32
      %add3A_52 = vector.broadcast %add3A_51 : i32 to vector<16xi32>
      %add3A_53 = arith.addi %mul3A_29, %add3A_52 : vector<16xi32>
      %gather3A = tpu.vector_load_idx %arg11[%add3A_53] : memref<13312xf32, #tpu.memory_space<vmem>>[vector<16xi32>], vector<16xf32>,
      %get3A_54 = arith.constant 0 : i32
      %get3A_55 = arith.index_cast %get3A_54 : i32 to index
      %get3A_56 = arith.constant 0 : index
      %get3A_57 = tpu.vector_load %arg13[%get3A_55, %get3A_56] {strides = array<i32>} : memref<40x16xf32, #tpu.memory_space<vmem>>, vector<16xf32>,
      %mul3A_58 = arith.mulf %gather3A, %get3A_57 : vector<16xf32>
      %add3A_59 = arith.addf %get3A_45, %mul3A_58 : vector<16xf32>
      %add3A_60 = arith.constant 1 : i32
      %add3A_61 = arith.addi %mul3A_47, %add3A_60 : i32
      %add3A_62 = vector.broadcast %add3A_61 : i32 to vector<16xi32>
      %add3A_63 = arith.addi %mul3A_29, %add3A_62 : vector<16xi32>
      %gather3A_64 = tpu.vector_load_idx %arg11[%add3A_63] : memref<13312xf32, #tpu.memory_space<vmem>>[vector<16xi32>], vector<16xf32>,
      %get3A_65 = arith.constant 1 : i32
      %get3A_66 = arith.index_cast %get3A_65 : i32 to index
      %get3A_67 = arith.constant 0 : index
      %get3A_68 = tpu.vector_load %arg13[%get3A_66, %get3A_67] {strides = array<i32>} : memref<40x16xf32, #tpu.memory_space<vmem>>, vector<16xf32>,
      %mul3A_69 = arith.mulf %gather3A_64, %get3A_68 : vector<16xf32>
      %add3A_70 = arith.addf %add3A_59, %mul3A_69 : vector<16xf32>
      %add3A_71 = arith.constant 2 : i32
      %add3A_72 = arith.addi %mul3A_47, %add3A_71 : i32
      %add3A_73 = vector.broadcast %add3A_72 : i32 to vector<16xi32>
      %add3A_74 = arith.addi %mul3A_29, %add3A_73 : vector<16xi32>
      %gather3A_75 = tpu.vector_load_idx %arg11[%add3A_74] : memref<13312xf32, #tpu.memory_space<vmem>>[vector<16xi32>], vector<16xf32>,
      %get3A_76 = arith.constant 2 : i32
      %get3A_77 = arith.index_cast %get3A_76 : i32 to index
      %get3A_78 = arith.constant 0 : index
      %get3A_79 = tpu.vector_load %arg13[%get3A_77, %get3A_78] {strides = array<i32>} : memref<40x16xf32, #tpu.memory_space<vmem>>, vector<16xf32>,
      %mul3A_80 = arith.mulf %gather3A_75, %get3A_79 : vector<16xf32>
      %add3A_81 = arith.addf %add3A_70, %mul3A_80 : vector<16xf32>
      %add3A_82 = arith.constant 3 : i32
      %add3A_83 = arith.addi %mul3A_47, %add3A_82 : i32
      %add3A_84 = vector.broadcast %add3A_83 : i32 to vector<16xi32>
      %add3A_85 = arith.addi %mul3A_29, %add3A_84 : vector<16xi32>
      %gather3A_86 = tpu.vector_load_idx %arg11[%add3A_85] : memref<13312xf32, #tpu.memory_space<vmem>>[vector<16xi32>], vector<16xf32>,
      %get3A_87 = arith.constant 3 : i32
      %get3A_88 = arith.index_cast %get3A_87 : i32 to index
      %get3A_89 = arith.constant 0 : index
      %get3A_90 = tpu.vector_load %arg13[%get3A_88, %get3A_89] {strides = array<i32>} : memref<40x16xf32, #tpu.memory_space<vmem>>, vector<16xf32>,
      %mul3A_91 = arith.mulf %gather3A_86, %get3A_90 : vector<16xf32>
      %add3A_92 = arith.addf %add3A_81, %mul3A_91 : vector<16xf32>
      %add3A_93 = arith.constant 4 : i32
      %add3A_94 = arith.addi %mul3A_47, %add3A_93 : i32
      %add3A_95 = vector.broadcast %add3A_94 : i32 to vector<16xi32>
      %add3A_96 = arith.addi %mul3A_29, %add3A_95 : vector<16xi32>
      %gather3A_97 = tpu.vector_load_idx %arg11[%add3A_96] : memref<13312xf32, #tpu.memory_space<vmem>>[vector<16xi32>], vector<16xf32>,
      %get3A_98 = arith.constant 4 : i32
      %get3A_99 = arith.index_cast %get3A_98 : i32 to index
      %get3A_100 = arith.constant 0 : index
      %get3A_101 = tpu.vector_load %arg13[%get3A_99, %get3A_100] {strides = array<i32>} : memref<40x16xf32, #tpu.memory_space<vmem>>, vector<16xf32>,
      %mul3A_102 = arith.mulf %gather3A_97, %get3A_101 : vector<16xf32>
      %add3A_103 = arith.addf %add3A_92, %mul3A_102 : vector<16xf32>
      %add3A_104 = arith.constant 5 : i32
      %add3A_105 = arith.addi %mul3A_47, %add3A_104 : i32
      %add3A_106 = vector.broadcast %add3A_105 : i32 to vector<16xi32>
      %add3A_107 = arith.addi %mul3A_29, %add3A_106 : vector<16xi32>
      %gather3A_108 = tpu.vector_load_idx %arg11[%add3A_107] : memref<13312xf32, #tpu.memory_space<vmem>>[vector<16xi32>], vector<16xf32>,
      %get3A_109 = arith.constant 5 : i32
      %get3A_110 = arith.index_cast %get3A_109 : i32 to index
      %get3A_111 = arith.constant 0 : index
      %get3A_112 = tpu.vector_load %arg13[%get3A_110, %get3A_111] {strides = array<i32>} : memref<40x16xf32, #tpu.memory_space<vmem>>, vector<16xf32>,
      %mul3A_113 = arith.mulf %gather3A_108, %get3A_112 : vector<16xf32>
      %add3A_114 = arith.addf %add3A_103, %mul3A_113 : vector<16xf32>
      %add3A_115 = arith.constant 6 : i32
      %add3A_116 = arith.addi %mul3A_47, %add3A_115 : i32
      %add3A_117 = vector.broadcast %add3A_116 : i32 to vector<16xi32>
      %add3A_118 = arith.addi %mul3A_29, %add3A_117 : vector<16xi32>
      %gather3A_119 = tpu.vector_load_idx %arg11[%add3A_118] : memref<13312xf32, #tpu.memory_space<vmem>>[vector<16xi32>], vector<16xf32>,
      %get3A_120 = arith.constant 6 : i32
      %get3A_121 = arith.index_cast %get3A_120 : i32 to index
      %get3A_122 = arith.constant 0 : index
      %get3A_123 = tpu.vector_load %arg13[%get3A_121, %get3A_122] {strides = array<i32>} : memref<40x16xf32, #tpu.memory_space<vmem>>, vector<16xf32>,
      %mul3A_124 = arith.mulf %gather3A_119, %get3A_123 : vector<16xf32>
      %add3A_125 = arith.addf %add3A_114, %mul3A_124 : vector<16xf32>
      %add3A_126 = arith.constant 7 : i32
      %add3A_127 = arith.addi %mul3A_47, %add3A_126 : i32
      %add3A_128 = vector.broadcast %add3A_127 : i32 to vector<16xi32>
      %add3A_129 = arith.addi %mul3A_29, %add3A_128 : vector<16xi32>
      %gather3A_130 = tpu.vector_load_idx %arg11[%add3A_129] : memref<13312xf32, #tpu.memory_space<vmem>>[vector<16xi32>], vector<16xf32>,
      %get3A_131 = arith.constant 7 : i32
      %get3A_132 = arith.index_cast %get3A_131 : i32 to index
      %get3A_133 = arith.constant 0 : index
      %get3A_134 = tpu.vector_load %arg13[%get3A_132, %get3A_133] {strides = array<i32>} : memref<40x16xf32, #tpu.memory_space<vmem>>, vector<16xf32>,
      %mul3A_135 = arith.mulf %gather3A_130, %get3A_134 : vector<16xf32>
      %add3A_136 = arith.addf %add3A_125, %mul3A_135 : vector<16xf32>
      %add3A_137 = arith.constant 8 : i32
      %add3A_138 = arith.addi %mul3A_47, %add3A_137 : i32
      %add3A_139 = vector.broadcast %add3A_138 : i32 to vector<16xi32>
      %add3A_140 = arith.addi %mul3A_29, %add3A_139 : vector<16xi32>
      %gather3A_141 = tpu.vector_load_idx %arg11[%add3A_140] : memref<13312xf32, #tpu.memory_space<vmem>>[vector<16xi32>], vector<16xf32>,
      %get3A_142 = arith.constant 8 : i32
      %get3A_143 = arith.index_cast %get3A_142 : i32 to index
      %get3A_144 = arith.constant 0 : index
      %get3A_145 = tpu.vector_load %arg13[%get3A_143, %get3A_144] {strides = array<i32>} : memref<40x16xf32, #tpu.memory_space<vmem>>, vector<16xf32>,
      %mul3A_146 = arith.mulf %gather3A_141, %get3A_145 : vector<16xf32>
      %add3A_147 = arith.addf %add3A_136, %mul3A_146 : vector<16xf32>
      %add3A_148 = arith.constant 9 : i32
      %add3A_149 = arith.addi %mul3A_47, %add3A_148 : i32
      %add3A_150 = vector.broadcast %add3A_149 : i32 to vector<16xi32>
      %add3A_151 = arith.addi %mul3A_29, %add3A_150 : vector<16xi32>
      %gather3A_152 = tpu.vector_load_idx %arg11[%add3A_151] : memref<13312xf32, #tpu.memory_space<vmem>>[vector<16xi32>], vector<16xf32>,
      %get3A_153 = arith.constant 9 : i32
      %get3A_154 = arith.index_cast %get3A_153 : i32 to index
      %get3A_155 = arith.constant 0 : index
      %get3A_156 = tpu.vector_load %arg13[%get3A_154, %get3A_155] {strides = array<i32>} : memref<40x16xf32, #tpu.memory_space<vmem>>, vector<16xf32>,
      %mul3A_157 = arith.mulf %gather3A_152, %get3A_156 : vector<16xf32>
      %add3A_158 = arith.addf %add3A_147, %mul3A_157 : vector<16xf32>
      %add3A_159 = arith.constant 10 : i32
      %add3A_160 = arith.addi %mul3A_47, %add3A_159 : i32
      %add3A_161 = vector.broadcast %add3A_160 : i32 to vector<16xi32>
      %add3A_162 = arith.addi %mul3A_29, %add3A_161 : vector<16xi32>
      %gather3A_163 = tpu.vector_load_idx %arg11[%add3A_162] : memref<13312xf32, #tpu.memory_space<vmem>>[vector<16xi32>], vector<16xf32>,
      %get3A_164 = arith.constant 10 : i32
      %get3A_165 = arith.index_cast %get3A_164 : i32 to index
      %get3A_166 = arith.constant 0 : index
      %get3A_167 = tpu.vector_load %arg13[%get3A_165, %get3A_166] {strides = array<i32>} : memref<40x16xf32, #tpu.memory_space<vmem>>, vector<16xf32>,
      %mul3A_168 = arith.mulf %gather3A_163, %get3A_167 : vector<16xf32>
      %add3A_169 = arith.addf %add3A_158, %mul3A_168 : vector<16xf32>
      %add3A_170 = arith.constant 11 : i32
      %add3A_171 = arith.addi %mul3A_47, %add3A_170 : i32
      %add3A_172 = vector.broadcast %add3A_171 : i32 to vector<16xi32>
      %add3A_173 = arith.addi %mul3A_29, %add3A_172 : vector<16xi32>
      %gather3A_174 = tpu.vector_load_idx %arg11[%add3A_173] : memref<13312xf32, #tpu.memory_space<vmem>>[vector<16xi32>], vector<16xf32>,
      %get3A_175 = arith.constant 11 : i32
      %get3A_176 = arith.index_cast %get3A_175 : i32 to index
      %get3A_177 = arith.constant 0 : index
      %get3A_178 = tpu.vector_load %arg13[%get3A_176, %get3A_177] {strides = array<i32>} : memref<40x16xf32, #tpu.memory_space<vmem>>, vector<16xf32>,
      %mul3A_179 = arith.mulf %gather3A_174, %get3A_178 : vector<16xf32>
      %add3A_180 = arith.addf %add3A_169, %mul3A_179 : vector<16xf32>
      %add3A_181 = arith.constant 12 : i32
      %add3A_182 = arith.addi %mul3A_47, %add3A_181 : i32
      %add3A_183 = vector.broadcast %add3A_182 : i32 to vector<16xi32>
      %add3A_184 = arith.addi %mul3A_29, %add3A_183 : vector<16xi32>
      %gather3A_185 = tpu.vector_load_idx %arg11[%add3A_184] : memref<13312xf32, #tpu.memory_space<vmem>>[vector<16xi32>], vector<16xf32>,
      %get3A_186 = arith.constant 12 : i32
      %get3A_187 = arith.index_cast %get3A_186 : i32 to index
      %get3A_188 = arith.constant 0 : index
      %get3A_189 = tpu.vector_load %arg13[%get3A_187, %get3A_188] {strides = array<i32>} : memref<40x16xf32, #tpu.memory_space<vmem>>, vector<16xf32>,
      %mul3A_190 = arith.mulf %gather3A_185, %get3A_189 : vector<16xf32>
      %add3A_191 = arith.addf %add3A_180, %mul3A_190 : vector<16xf32>
      %add3A_192 = arith.constant 13 : i32
      %add3A_193 = arith.addi %mul3A_47, %add3A_192 : i32
      %add3A_194 = vector.broadcast %add3A_193 : i32 to vector<16xi32>
      %add3A_195 = arith.addi %mul3A_29, %add3A_194 : vector<16xi32>
      %gather3A_196 = tpu.vector_load_idx %arg11[%add3A_195] : memref<13312xf32, #tpu.memory_space<vmem>>[vector<16xi32>], vector<16xf32>,
      %get3A_197 = arith.constant 13 : i32
      %get3A_198 = arith.index_cast %get3A_197 : i32 to index
      %get3A_199 = arith.constant 0 : index
      %get3A_200 = tpu.vector_load %arg13[%get3A_198, %get3A_199] {strides = array<i32>} : memref<40x16xf32, #tpu.memory_space<vmem>>, vector<16xf32>,
      %mul3A_201 = arith.mulf %gather3A_196, %get3A_200 : vector<16xf32>
      %add3A_202 = arith.addf %add3A_191, %mul3A_201 : vector<16xf32>
      %add3A_203 = arith.constant 14 : i32
      %add3A_204 = arith.addi %mul3A_47, %add3A_203 : i32
      %add3A_205 = vector.broadcast %add3A_204 : i32 to vector<16xi32>
      %add3A_206 = arith.addi %mul3A_29, %add3A_205 : vector<16xi32>
      %gather3A_207 = tpu.vector_load_idx %arg11[%add3A_206] : memref<13312xf32, #tpu.memory_space<vmem>>[vector<16xi32>], vector<16xf32>,
      %get3A_208 = arith.constant 14 : i32
      %get3A_209 = arith.index_cast %get3A_208 : i32 to index
      %get3A_210 = arith.constant 0 : index
      %get3A_211 = tpu.vector_load %arg13[%get3A_209, %get3A_210] {strides = array<i32>} : memref<40x16xf32, #tpu.memory_space<vmem>>, vector<16xf32>,
      %mul3A_212 = arith.mulf %gather3A_207, %get3A_211 : vector<16xf32>
      %add3A_213 = arith.addf %add3A_202, %mul3A_212 : vector<16xf32>
      %add3A_214 = arith.constant 15 : i32
      %add3A_215 = arith.addi %mul3A_47, %add3A_214 : i32
      %add3A_216 = vector.broadcast %add3A_215 : i32 to vector<16xi32>
      %add3A_217 = arith.addi %mul3A_29, %add3A_216 : vector<16xi32>
      %gather3A_218 = tpu.vector_load_idx %arg11[%add3A_217] : memref<13312xf32, #tpu.memory_space<vmem>>[vector<16xi32>], vector<16xf32>,
      %get3A_219 = arith.constant 15 : i32
      %get3A_220 = arith.index_cast %get3A_219 : i32 to index
      %get3A_221 = arith.constant 0 : index
      %get3A_222 = tpu.vector_load %arg13[%get3A_220, %get3A_221] {strides = array<i32>} : memref<40x16xf32, #tpu.memory_space<vmem>>, vector<16xf32>,
      %mul3A_223 = arith.mulf %gather3A_218, %get3A_222 : vector<16xf32>
      %add3A_224 = arith.addf %add3A_213, %mul3A_223 : vector<16xf32>
      %add3A_225 = arith.constant 16 : i32
      %add3A_226 = arith.addi %mul3A_47, %add3A_225 : i32
      %add3A_227 = vector.broadcast %add3A_226 : i32 to vector<16xi32>
      %add3A_228 = arith.addi %mul3A_29, %add3A_227 : vector<16xi32>
      %gather3A_229 = tpu.vector_load_idx %arg11[%add3A_228] : memref<13312xf32, #tpu.memory_space<vmem>>[vector<16xi32>], vector<16xf32>,
      %get3A_230 = arith.constant 16 : i32
      %get3A_231 = arith.index_cast %get3A_230 : i32 to index
      %get3A_232 = arith.constant 0 : index
      %get3A_233 = tpu.vector_load %arg13[%get3A_231, %get3A_232] {strides = array<i32>} : memref<40x16xf32, #tpu.memory_space<vmem>>, vector<16xf32>,
      %mul3A_234 = arith.mulf %gather3A_229, %get3A_233 : vector<16xf32>
      %add3A_235 = arith.addf %add3A_224, %mul3A_234 : vector<16xf32>
      %add3A_236 = arith.constant 17 : i32
      %add3A_237 = arith.addi %mul3A_47, %add3A_236 : i32
      %add3A_238 = vector.broadcast %add3A_237 : i32 to vector<16xi32>
      %add3A_239 = arith.addi %mul3A_29, %add3A_238 : vector<16xi32>
      %gather3A_240 = tpu.vector_load_idx %arg11[%add3A_239] : memref<13312xf32, #tpu.memory_space<vmem>>[vector<16xi32>], vector<16xf32>,
      %get3A_241 = arith.constant 17 : i32
      %get3A_242 = arith.index_cast %get3A_241 : i32 to index
      %get3A_243 = arith.constant 0 : index
      %get3A_244 = tpu.vector_load %arg13[%get3A_242, %get3A_243] {strides = array<i32>} : memref<40x16xf32, #tpu.memory_space<vmem>>, vector<16xf32>,
      %mul3A_245 = arith.mulf %gather3A_240, %get3A_244 : vector<16xf32>
      %add3A_246 = arith.addf %add3A_235, %mul3A_245 : vector<16xf32>
      %add3A_247 = arith.constant 18 : i32
      %add3A_248 = arith.addi %mul3A_47, %add3A_247 : i32
      %add3A_249 = vector.broadcast %add3A_248 : i32 to vector<16xi32>
      %add3A_250 = arith.addi %mul3A_29, %add3A_249 : vector<16xi32>
      %gather3A_251 = tpu.vector_load_idx %arg11[%add3A_250] : memref<13312xf32, #tpu.memory_space<vmem>>[vector<16xi32>], vector<16xf32>,
      %get3A_252 = arith.constant 18 : i32
      %get3A_253 = arith.index_cast %get3A_252 : i32 to index
      %get3A_254 = arith.constant 0 : index
      %get3A_255 = tpu.vector_load %arg13[%get3A_253, %get3A_254] {strides = array<i32>} : memref<40x16xf32, #tpu.memory_space<vmem>>, vector<16xf32>,
      %mul3A_256 = arith.mulf %gather3A_251, %get3A_255 : vector<16xf32>
      %add3A_257 = arith.addf %add3A_246, %mul3A_256 : vector<16xf32>
      %add3A_258 = arith.constant 19 : i32
      %add3A_259 = arith.addi %mul3A_47, %add3A_258 : i32
      %add3A_260 = vector.broadcast %add3A_259 : i32 to vector<16xi32>
      %add3A_261 = arith.addi %mul3A_29, %add3A_260 : vector<16xi32>
      %gather3A_262 = tpu.vector_load_idx %arg11[%add3A_261] : memref<13312xf32, #tpu.memory_space<vmem>>[vector<16xi32>], vector<16xf32>,
      %get3A_263 = arith.constant 19 : i32
      %get3A_264 = arith.index_cast %get3A_263 : i32 to index
      %get3A_265 = arith.constant 0 : index
      %get3A_266 = tpu.vector_load %arg13[%get3A_264, %get3A_265] {strides = array<i32>} : memref<40x16xf32, #tpu.memory_space<vmem>>, vector<16xf32>,
      %mul3A_267 = arith.mulf %gather3A_262, %get3A_266 : vector<16xf32>
      %add3A_268 = arith.addf %add3A_257, %mul3A_267 : vector<16xf32>
      %add3A_269 = arith.constant 20 : i32
      %add3A_270 = arith.addi %mul3A_47, %add3A_269 : i32
      %add3A_271 = vector.broadcast %add3A_270 : i32 to vector<16xi32>
      %add3A_272 = arith.addi %mul3A_29, %add3A_271 : vector<16xi32>
      %gather3A_273 = tpu.vector_load_idx %arg11[%add3A_272] : memref<13312xf32, #tpu.memory_space<vmem>>[vector<16xi32>], vector<16xf32>,
      %get3A_274 = arith.constant 20 : i32
      %get3A_275 = arith.index_cast %get3A_274 : i32 to index
      %get3A_276 = arith.constant 0 : index
      %get3A_277 = tpu.vector_load %arg13[%get3A_275, %get3A_276] {strides = array<i32>} : memref<40x16xf32, #tpu.memory_space<vmem>>, vector<16xf32>,
      %mul3A_278 = arith.mulf %gather3A_273, %get3A_277 : vector<16xf32>
      %add3A_279 = arith.addf %add3A_268, %mul3A_278 : vector<16xf32>
      %add3A_280 = arith.constant 21 : i32
      %add3A_281 = arith.addi %mul3A_47, %add3A_280 : i32
      %add3A_282 = vector.broadcast %add3A_281 : i32 to vector<16xi32>
      %add3A_283 = arith.addi %mul3A_29, %add3A_282 : vector<16xi32>
      %gather3A_284 = tpu.vector_load_idx %arg11[%add3A_283] : memref<13312xf32, #tpu.memory_space<vmem>>[vector<16xi32>], vector<16xf32>,
      %get3A_285 = arith.constant 21 : i32
      %get3A_286 = arith.index_cast %get3A_285 : i32 to index
      %get3A_287 = arith.constant 0 : index
      %get3A_288 = tpu.vector_load %arg13[%get3A_286, %get3A_287] {strides = array<i32>} : memref<40x16xf32, #tpu.memory_space<vmem>>, vector<16xf32>,
      %mul3A_289 = arith.mulf %gather3A_284, %get3A_288 : vector<16xf32>
      %add3A_290 = arith.addf %add3A_279, %mul3A_289 : vector<16xf32>
      %add3A_291 = arith.constant 22 : i32
      %add3A_292 = arith.addi %mul3A_47, %add3A_291 : i32
      %add3A_293 = vector.broadcast %add3A_292 : i32 to vector<16xi32>
      %add3A_294 = arith.addi %mul3A_29, %add3A_293 : vector<16xi32>
      %gather3A_295 = tpu.vector_load_idx %arg11[%add3A_294] : memref<13312xf32, #tpu.memory_space<vmem>>[vector<16xi32>], vector<16xf32>,
      %get3A_296 = arith.constant 22 : i32
      %get3A_297 = arith.index_cast %get3A_296 : i32 to index
      %get3A_298 = arith.constant 0 : index
      %get3A_299 = tpu.vector_load %arg13[%get3A_297, %get3A_298] {strides = array<i32>} : memref<40x16xf32, #tpu.memory_space<vmem>>, vector<16xf32>,
      %mul3A_300 = arith.mulf %gather3A_295, %get3A_299 : vector<16xf32>
      %add3A_301 = arith.addf %add3A_290, %mul3A_300 : vector<16xf32>
      %add3A_302 = arith.constant 23 : i32
      %add3A_303 = arith.addi %mul3A_47, %add3A_302 : i32
      %add3A_304 = vector.broadcast %add3A_303 : i32 to vector<16xi32>
      %add3A_305 = arith.addi %mul3A_29, %add3A_304 : vector<16xi32>
      %gather3A_306 = tpu.vector_load_idx %arg11[%add3A_305] : memref<13312xf32, #tpu.memory_space<vmem>>[vector<16xi32>], vector<16xf32>,
      %get3A_307 = arith.constant 23 : i32
      %get3A_308 = arith.index_cast %get3A_307 : i32 to index
      %get3A_309 = arith.constant 0 : index
      %get3A_310 = tpu.vector_load %arg13[%get3A_308, %get3A_309] {strides = array<i32>} : memref<40x16xf32, #tpu.memory_space<vmem>>, vector<16xf32>,
      %mul3A_311 = arith.mulf %gather3A_306, %get3A_310 : vector<16xf32>
      %add3A_312 = arith.addf %add3A_301, %mul3A_311 : vector<16xf32>
      %add3A_313 = arith.constant 24 : i32
      %add3A_314 = arith.addi %mul3A_47, %add3A_313 : i32
      %add3A_315 = vector.broadcast %add3A_314 : i32 to vector<16xi32>
      %add3A_316 = arith.addi %mul3A_29, %add3A_315 : vector<16xi32>
      %gather3A_317 = tpu.vector_load_idx %arg11[%add3A_316] : memref<13312xf32, #tpu.memory_space<vmem>>[vector<16xi32>], vector<16xf32>,
      %get3A_318 = arith.constant 24 : i32
      %get3A_319 = arith.index_cast %get3A_318 : i32 to index
      %get3A_320 = arith.constant 0 : index
      %get3A_321 = tpu.vector_load %arg13[%get3A_319, %get3A_320] {strides = array<i32>} : memref<40x16xf32, #tpu.memory_space<vmem>>, vector<16xf32>,
      %mul3A_322 = arith.mulf %gather3A_317, %get3A_321 : vector<16xf32>
      %add3A_323 = arith.addf %add3A_312, %mul3A_322 : vector<16xf32>
      %add3A_324 = arith.constant 25 : i32
      %add3A_325 = arith.addi %mul3A_47, %add3A_324 : i32
      %add3A_326 = vector.broadcast %add3A_325 : i32 to vector<16xi32>
      %add3A_327 = arith.addi %mul3A_29, %add3A_326 : vector<16xi32>
      %gather3A_328 = tpu.vector_load_idx %arg11[%add3A_327] : memref<13312xf32, #tpu.memory_space<vmem>>[vector<16xi32>], vector<16xf32>,
      %get3A_329 = arith.constant 25 : i32
      %get3A_330 = arith.index_cast %get3A_329 : i32 to index
      %get3A_331 = arith.constant 0 : index
      %get3A_332 = tpu.vector_load %arg13[%get3A_330, %get3A_331] {strides = array<i32>} : memref<40x16xf32, #tpu.memory_space<vmem>>, vector<16xf32>,
      %mul3A_333 = arith.mulf %gather3A_328, %get3A_332 : vector<16xf32>
      %add3A_334 = arith.addf %add3A_323, %mul3A_333 : vector<16xf32>
      %add3A_335 = arith.constant 0 : i32
      %add3A_336 = arith.addi %mul3A_49, %add3A_335 : i32
      %add3A_337 = vector.broadcast %add3A_336 : i32 to vector<16xi32>
      %add3A_338 = arith.addi %mul3A_32, %add3A_337 : vector<16xi32>
      %gather3A_339 = tpu.vector_load_idx %arg12[%add3A_338] : memref<6656xf32, #tpu.memory_space<vmem>>[vector<16xi32>], vector<16xf32>,
      %get3A_340 = arith.constant 26 : i32
      %get3A_341 = arith.index_cast %get3A_340 : i32 to index
      %get3A_342 = arith.constant 0 : index
      %get3A_343 = tpu.vector_load %arg13[%get3A_341, %get3A_342] {strides = array<i32>} : memref<40x16xf32, #tpu.memory_space<vmem>>, vector<16xf32>,
      %mul3A_344 = arith.mulf %gather3A_339, %get3A_343 : vector<16xf32>
      %add3A_345 = arith.addf %add3A_334, %mul3A_344 : vector<16xf32>
      %add3A_346 = arith.constant 1 : i32
      %add3A_347 = arith.addi %mul3A_49, %add3A_346 : i32
      %add3A_348 = vector.broadcast %add3A_347 : i32 to vector<16xi32>
      %add3A_349 = arith.addi %mul3A_32, %add3A_348 : vector<16xi32>
      %gather3A_350 = tpu.vector_load_idx %arg12[%add3A_349] : memref<6656xf32, #tpu.memory_space<vmem>>[vector<16xi32>], vector<16xf32>,
      %get3A_351 = arith.constant 27 : i32
      %get3A_352 = arith.index_cast %get3A_351 : i32 to index
      %get3A_353 = arith.constant 0 : index
      %get3A_354 = tpu.vector_load %arg13[%get3A_352, %get3A_353] {strides = array<i32>} : memref<40x16xf32, #tpu.memory_space<vmem>>, vector<16xf32>,
      %mul3A_355 = arith.mulf %gather3A_350, %get3A_354 : vector<16xf32>
      %add3A_356 = arith.addf %add3A_345, %mul3A_355 : vector<16xf32>
      %add3A_357 = arith.constant 2 : i32
      %add3A_358 = arith.addi %mul3A_49, %add3A_357 : i32
      %add3A_359 = vector.broadcast %add3A_358 : i32 to vector<16xi32>
      %add3A_360 = arith.addi %mul3A_32, %add3A_359 : vector<16xi32>
      %gather3A_361 = tpu.vector_load_idx %arg12[%add3A_360] : memref<6656xf32, #tpu.memory_space<vmem>>[vector<16xi32>], vector<16xf32>,
      %get3A_362 = arith.constant 28 : i32
      %get3A_363 = arith.index_cast %get3A_362 : i32 to index
      %get3A_364 = arith.constant 0 : index
      %get3A_365 = tpu.vector_load %arg13[%get3A_363, %get3A_364] {strides = array<i32>} : memref<40x16xf32, #tpu.memory_space<vmem>>, vector<16xf32>,
      %mul3A_366 = arith.mulf %gather3A_361, %get3A_365 : vector<16xf32>
      %add3A_367 = arith.addf %add3A_356, %mul3A_366 : vector<16xf32>
      %add3A_368 = arith.constant 3 : i32
      %add3A_369 = arith.addi %mul3A_49, %add3A_368 : i32
      %add3A_370 = vector.broadcast %add3A_369 : i32 to vector<16xi32>
      %add3A_371 = arith.addi %mul3A_32, %add3A_370 : vector<16xi32>
      %gather3A_372 = tpu.vector_load_idx %arg12[%add3A_371] : memref<6656xf32, #tpu.memory_space<vmem>>[vector<16xi32>], vector<16xf32>,
      %get3A_373 = arith.constant 29 : i32
      %get3A_374 = arith.index_cast %get3A_373 : i32 to index
      %get3A_375 = arith.constant 0 : index
      %get3A_376 = tpu.vector_load %arg13[%get3A_374, %get3A_375] {strides = array<i32>} : memref<40x16xf32, #tpu.memory_space<vmem>>, vector<16xf32>,
      %mul3A_377 = arith.mulf %gather3A_372, %get3A_376 : vector<16xf32>
      %add3A_378 = arith.addf %add3A_367, %mul3A_377 : vector<16xf32>
      %add3A_379 = arith.constant 4 : i32
      %add3A_380 = arith.addi %mul3A_49, %add3A_379 : i32
      %add3A_381 = vector.broadcast %add3A_380 : i32 to vector<16xi32>
      %add3A_382 = arith.addi %mul3A_32, %add3A_381 : vector<16xi32>
      %gather3A_383 = tpu.vector_load_idx %arg12[%add3A_382] : memref<6656xf32, #tpu.memory_space<vmem>>[vector<16xi32>], vector<16xf32>,
      %get3A_384 = arith.constant 30 : i32
      %get3A_385 = arith.index_cast %get3A_384 : i32 to index
      %get3A_386 = arith.constant 0 : index
      %get3A_387 = tpu.vector_load %arg13[%get3A_385, %get3A_386] {strides = array<i32>} : memref<40x16xf32, #tpu.memory_space<vmem>>, vector<16xf32>,
      %mul3A_388 = arith.mulf %gather3A_383, %get3A_387 : vector<16xf32>
      %add3A_389 = arith.addf %add3A_378, %mul3A_388 : vector<16xf32>
      %add3A_390 = arith.constant 5 : i32
      %add3A_391 = arith.addi %mul3A_49, %add3A_390 : i32
      %add3A_392 = vector.broadcast %add3A_391 : i32 to vector<16xi32>
      %add3A_393 = arith.addi %mul3A_32, %add3A_392 : vector<16xi32>
      %gather3A_394 = tpu.vector_load_idx %arg12[%add3A_393] : memref<6656xf32, #tpu.memory_space<vmem>>[vector<16xi32>], vector<16xf32>,
      %get3A_395 = arith.constant 31 : i32
      %get3A_396 = arith.index_cast %get3A_395 : i32 to index
      %get3A_397 = arith.constant 0 : index
      %get3A_398 = tpu.vector_load %arg13[%get3A_396, %get3A_397] {strides = array<i32>} : memref<40x16xf32, #tpu.memory_space<vmem>>, vector<16xf32>,
      %mul3A_399 = arith.mulf %gather3A_394, %get3A_398 : vector<16xf32>
      %add3A_400 = arith.addf %add3A_389, %mul3A_399 : vector<16xf32>
      %add3A_401 = arith.constant 6 : i32
      %add3A_402 = arith.addi %mul3A_49, %add3A_401 : i32
      %add3A_403 = vector.broadcast %add3A_402 : i32 to vector<16xi32>
      %add3A_404 = arith.addi %mul3A_32, %add3A_403 : vector<16xi32>
      %gather3A_405 = tpu.vector_load_idx %arg12[%add3A_404] : memref<6656xf32, #tpu.memory_space<vmem>>[vector<16xi32>], vector<16xf32>,
      %get3A_406 = arith.constant 32 : i32
      %get3A_407 = arith.index_cast %get3A_406 : i32 to index
      %get3A_408 = arith.constant 0 : index
      %get3A_409 = tpu.vector_load %arg13[%get3A_407, %get3A_408] {strides = array<i32>} : memref<40x16xf32, #tpu.memory_space<vmem>>, vector<16xf32>,
      %mul3A_410 = arith.mulf %gather3A_405, %get3A_409 : vector<16xf32>
      %add3A_411 = arith.addf %add3A_400, %mul3A_410 : vector<16xf32>
      %add3A_412 = arith.constant 7 : i32
      %add3A_413 = arith.addi %mul3A_49, %add3A_412 : i32
      %add3A_414 = vector.broadcast %add3A_413 : i32 to vector<16xi32>
      %add3A_415 = arith.addi %mul3A_32, %add3A_414 : vector<16xi32>
      %gather3A_416 = tpu.vector_load_idx %arg12[%add3A_415] : memref<6656xf32, #tpu.memory_space<vmem>>[vector<16xi32>], vector<16xf32>,
      %get3A_417 = arith.constant 33 : i32
      %get3A_418 = arith.index_cast %get3A_417 : i32 to index
      %get3A_419 = arith.constant 0 : index
      %get3A_420 = tpu.vector_load %arg13[%get3A_418, %get3A_419] {strides = array<i32>} : memref<40x16xf32, #tpu.memory_space<vmem>>, vector<16xf32>,
      %mul3A_421 = arith.mulf %gather3A_416, %get3A_420 : vector<16xf32>
      %add3A_422 = arith.addf %add3A_411, %mul3A_421 : vector<16xf32>
      %add3A_423 = arith.constant 8 : i32
      %add3A_424 = arith.addi %mul3A_49, %add3A_423 : i32
      %add3A_425 = vector.broadcast %add3A_424 : i32 to vector<16xi32>
      %add3A_426 = arith.addi %mul3A_32, %add3A_425 : vector<16xi32>
      %gather3A_427 = tpu.vector_load_idx %arg12[%add3A_426] : memref<6656xf32, #tpu.memory_space<vmem>>[vector<16xi32>], vector<16xf32>,
      %get3A_428 = arith.constant 34 : i32
      %get3A_429 = arith.index_cast %get3A_428 : i32 to index
      %get3A_430 = arith.constant 0 : index
      %get3A_431 = tpu.vector_load %arg13[%get3A_429, %get3A_430] {strides = array<i32>} : memref<40x16xf32, #tpu.memory_space<vmem>>, vector<16xf32>,
      %mul3A_432 = arith.mulf %gather3A_427, %get3A_431 : vector<16xf32>
      %add3A_433 = arith.addf %add3A_422, %mul3A_432 : vector<16xf32>
      %add3A_434 = arith.constant 9 : i32
      %add3A_435 = arith.addi %mul3A_49, %add3A_434 : i32
      %add3A_436 = vector.broadcast %add3A_435 : i32 to vector<16xi32>
      %add3A_437 = arith.addi %mul3A_32, %add3A_436 : vector<16xi32>
      %gather3A_438 = tpu.vector_load_idx %arg12[%add3A_437] : memref<6656xf32, #tpu.memory_space<vmem>>[vector<16xi32>], vector<16xf32>,
      %get3A_439 = arith.constant 35 : i32
      %get3A_440 = arith.index_cast %get3A_439 : i32 to index
      %get3A_441 = arith.constant 0 : index
      %get3A_442 = tpu.vector_load %arg13[%get3A_440, %get3A_441] {strides = array<i32>} : memref<40x16xf32, #tpu.memory_space<vmem>>, vector<16xf32>,
      %mul3A_443 = arith.mulf %gather3A_438, %get3A_442 : vector<16xf32>
      %add3A_444 = arith.addf %add3A_433, %mul3A_443 : vector<16xf32>
      %add3A_445 = arith.constant 10 : i32
      %add3A_446 = arith.addi %mul3A_49, %add3A_445 : i32
      %add3A_447 = vector.broadcast %add3A_446 : i32 to vector<16xi32>
      %add3A_448 = arith.addi %mul3A_32, %add3A_447 : vector<16xi32>
      %gather3A_449 = tpu.vector_load_idx %arg12[%add3A_448] : memref<6656xf32, #tpu.memory_space<vmem>>[vector<16xi32>], vector<16xf32>,
      %get3A_450 = arith.constant 36 : i32
      %get3A_451 = arith.index_cast %get3A_450 : i32 to index
      %get3A_452 = arith.constant 0 : index
      %get3A_453 = tpu.vector_load %arg13[%get3A_451, %get3A_452] {strides = array<i32>} : memref<40x16xf32, #tpu.memory_space<vmem>>, vector<16xf32>,
      %mul3A_454 = arith.mulf %gather3A_449, %get3A_453 : vector<16xf32>
      %add3A_455 = arith.addf %add3A_444, %mul3A_454 : vector<16xf32>
      %add3A_456 = arith.constant 11 : i32
      %add3A_457 = arith.addi %mul3A_49, %add3A_456 : i32
      %add3A_458 = vector.broadcast %add3A_457 : i32 to vector<16xi32>
      %add3A_459 = arith.addi %mul3A_32, %add3A_458 : vector<16xi32>
      %gather3A_460 = tpu.vector_load_idx %arg12[%add3A_459] : memref<6656xf32, #tpu.memory_space<vmem>>[vector<16xi32>], vector<16xf32>,
      %get3A_461 = arith.constant 37 : i32
      %get3A_462 = arith.index_cast %get3A_461 : i32 to index
      %get3A_463 = arith.constant 0 : index
      %get3A_464 = tpu.vector_load %arg13[%get3A_462, %get3A_463] {strides = array<i32>} : memref<40x16xf32, #tpu.memory_space<vmem>>, vector<16xf32>,
      %mul3A_465 = arith.mulf %gather3A_460, %get3A_464 : vector<16xf32>
      %add3A_466 = arith.addf %add3A_455, %mul3A_465 : vector<16xf32>
      %add3A_467 = arith.constant 12 : i32
      %add3A_468 = arith.addi %mul3A_49, %add3A_467 : i32
      %add3A_469 = vector.broadcast %add3A_468 : i32 to vector<16xi32>
      %add3A_470 = arith.addi %mul3A_32, %add3A_469 : vector<16xi32>
      %gather3A_471 = tpu.vector_load_idx %arg12[%add3A_470] : memref<6656xf32, #tpu.memory_space<vmem>>[vector<16xi32>], vector<16xf32>,
      %get3A_472 = arith.constant 38 : i32
      %get3A_473 = arith.index_cast %get3A_472 : i32 to index
      %get3A_474 = arith.constant 0 : index
      %get3A_475 = tpu.vector_load %arg13[%get3A_473, %get3A_474] {strides = array<i32>} : memref<40x16xf32, #tpu.memory_space<vmem>>, vector<16xf32>,
      %mul3A_476 = arith.mulf %gather3A_471, %get3A_475 : vector<16xf32>
      %add3A_477 = arith.addf %add3A_466, %mul3A_476 : vector<16xf32>
      %neg3A = arith.constant 0.000000e+00 : f32
      %neg3A_478 = vector.broadcast %neg3A : f32 to vector<16xf32>
      %neg3A_479 = arith.subf %neg3A_478, %add3A_477 : vector<16xf32>
      %exp3A = math.exp %neg3A_479 : vector<16xf32>
      %add3A_480 = arith.constant 1.000000e+00 : f32
      %add3A_481 = vector.broadcast %add3A_480 : f32 to vector<16xf32>
      %add3A_482 = arith.addf %add3A_481, %exp3A : vector<16xf32>
      %div3A = arith.constant 1.000000e+00 : f32
      %div3A_483 = vector.broadcast %div3A : f32 to vector<16xf32>
      %div3A_484 = arith.divf %div3A_483, %add3A_482 : vector<16xf32>
      %swap3A = arith.index_cast %multiple_of3A : i32 to index
      %swap3A_485 = tpu.vector_load %arg14[%swap3A] {strides = array<i32>} : memref<512xf32, #tpu.memory_space<vmem>>, vector<16xf32>,
      tpu.vector_store %arg14[%swap3A], %div3A_484 {strides = array<i32>} : memref<512xf32, #tpu.memory_space<vmem>>, vector<16xf32>,
    }
    %scan3A_37 = arith.constant 32 : i32
    %mul3A_38 = arith.constant 512 : i32
    %mul3A_39 = arith.muli %add3A, %mul3A_38 : i32
    "tpu.region"() ({
      %run_scoped3A = tpu.sem_alloc : memref<!tpu.dma_semaphore, #tpu.memory_space<semaphore_mem>>
      %dma_start3A_40 = tpu.memref_slice %arg8[%mul3A_39] : memref<16384xf32, #tpu.memory_space<hbm>> -> memref<512xf32, #tpu.memory_space<hbm>>
      %dma_start3A_41 = tpu.memref_slice %arg8[%mul3A_39] : memref<16384xf32, #tpu.memory_space<hbm>> -> memref<512xf32, #tpu.memory_space<hbm>>
      tpu.enqueue_dma source(%arg14 : memref<512xf32, #tpu.memory_space<vmem>>) target(%dma_start3A_41 : memref<512xf32, #tpu.memory_space<hbm>>) target_semaphore(%run_scoped3A : memref<!tpu.dma_semaphore, #tpu.memory_space<semaphore_mem>>)
      %dma_wait3A_42 = tpu.memref_slice %arg8[%mul3A_39] : memref<16384xf32, #tpu.memory_space<hbm>> -> memref<512xf32, #tpu.memory_space<hbm>>
      %dma_wait3A_43 = tpu.memref_slice %arg8[%mul3A_39] : memref<16384xf32, #tpu.memory_space<hbm>> -> memref<512xf32, #tpu.memory_space<hbm>>
      tpu.wait_dma2 semaphore(%run_scoped3A : memref<!tpu.dma_semaphore, #tpu.memory_space<semaphore_mem>>) src(%arg14 : memref<512xf32, #tpu.memory_space<vmem>>) dst(%dma_wait3A_43 : memref<512xf32, #tpu.memory_space<hbm>>)
      tpu.yield
    }) : () -> ()
    return
  }
}

</mosaic_0001>

<sc_bundles>
// kernel: kernel.3.cloned.1.call-start
scs
__scs_entry_jumppad:
0x0: {  	(pc) =	sbr.rel $0x88, $3  }
0x1: {  	(tag) =	ssettag $0x0;
	lr =	simm.s32 $0x1  }
0x2: {  	[smem:$0x3F9C] =	sst lr;
	_ =	strace $0xD0000000  }
0x3: {  	_ = 	snop  }
0x4: {  	_ = 	snop  }
0x5: {  	_ = 	snop  }
0x6: {  	_ = 	snop  }
0x7: {  	_ = 	snop  }
__scs_overlays_trampoline_lowered:
0x8: {  	[smem:$0x3FAB] =	sst s0  }
0x9: {  	[smem:$0x3FAC] =	sst s1  }
0xa: {  	[smem:$0x3FAD] =	sst s2  }
0xb: {  	[smem:$0x3FAE] =	sst s3  }
0xc: {  	[smem:$0x3FAF] =	sst s4  }
0xd: {  	[smem:$0x3FB0] =	sst s5  }
0xe: {  	[smem:$0x3FB1] =	sst s6  }
0xf: {  	[smem:$0x3FB2] =	sst s7  }
0x10: {  	[smem:$0x3FB3] =	sst s8  }
0x11: {  	[smem:$0x3FB4] =	sst s9;
	s0 =	simm.s32 @!p0 $0x0  }
0x12: {  	s1 =	sld [smem:$0x3F9A];
	s0 =	simm.s32 @p0 $0x1  }
0x13: {  	[smem:$0x3FB5] =	sst s0;
	s0 =	simm.s32 @!p1 $0x0  }
0x14: {  	s2 =	sld [smem:$0x3F99];
	s0 =	simm.s32 @p1 $0x1  }
0x15: {  	[smem:$0x3FB6] =	sst s0;
	s0 =	simm.s32 @!p2 $0x0  }
0x16: {  	s3 =	sld [smem:$0x3FDB];
	s0 =	simm.s32 @p2 $0x1  }
0x17: {  	s4 =	simm.s32 $0x1BF5;
	[smem:$0x3FB8] =	sst s0  }
0x18: {  	s0 =	sld [smem:$0x3F9B];
	_ =	swait.ge [sflag:s4], $0x0  }
0x19: {  	s7 =	sld [smem:$0x3F9C]  }
0x1a: {  	s8 =	sadd.s32 $0xFFFFE003, lr  }
0x1b: {  	s9 =	sadd.s32 $0xFFFFFEF7, lr;
	s5 =	simm.s32 $0xFFFFFFFF;
	p2 =	slt.u32 s8, $0xFFFFF086  }
0x1c: {  	p1 =	slt.u32 s9, $0xF7A;
	s5 =	simm.s32 @!p2 $0x0  }
0x1d: {  	s5 =	simm.s32 @p1 $0x1;
	p0 =	seq.s32 s7, s2  }
0x1e: {  	s7 =	smul.u32 @!p0 $0xF7A, s2;
	p2 =	seq.s32 @!p0 s5, $0x0  }
0x1f: {  	s9 =	smul.u32 $0xF7A, s1;
	s8 =	simm.s32 @!p0 $0x1BF5;
	p2 =	por !p2, p0  }
0x20: {  	[sflag:s8] =	ssyncset.s32 @!p0 $0xFFFFF086;
	s6 =	sadd.s32 @!p0 s3, s7;
	s7 =	simm.s32 @!p0 $0x108  }
0x21: {  	s3 =	sadd.s32 s3, s9;
	s6 =	sadd.s32 @!p0 $0x88, s6;
	s7 =	simm.s32 @p2 $0x1082  }
0x22: {  	[simem:s7], [sflag:s8] =	dma.local @!p0 [hbm:s6], $0xF7A  }
0x23: {  	s9 =	sor.u32 $0xD0000000, s2;
	s6 =	simm.s32 $0x108;
	_ =	swait.ge @!p0 [sflag:s8], $0x0  }
0x24: {  	s3 =	sadd.s32 $0x88, s3;
	s6 =	simm.s32 @!p1 $0x1082;
	[sflag:s4] =	ssyncset.s32 $0xFFFFF086  }
0x25: {  	[simem:s6], [sflag:s4] =	dma.local [hbm:s3], $0xF7A  }
0x26: {  	[smem:$0x3F9C] =	sst s1;
	(tag) =	ssettag s2;
	_ =	strace s9  }
0x27: {  	s1 =	sld [smem:$0x3FAC]  }
0x28: {  	s2 =	sld [smem:$0x3FAD]  }
0x29: {  	s4 =	sld [smem:$0x3FAF]  }
0x2a: {  	p0 =	seq.s32 s5, $0x0;
	s5 =	sld [smem:$0x3FB0]  }
0x2b: {  	s6 =	sld [smem:$0x3FB1]  }
0x2c: {  	s7 =	sld [smem:$0x3FB2]  }
0x2d: {  	s3 =	simm.s32 $0x108;
	s8 =	sld [smem:$0x3FB3]  }
0x2e: {  	s3 =	simm.s32 @!p0 $0x1082;
	s9 =	sld [smem:$0x3FB4]  }
0x2f: {  	lr =	sadd.s32 s0, s3;
	s0 =	sld [smem:$0x3FAB]  }
0x30: {  	s3 =	sld [smem:$0x3FAE]  }
0x31: {  	[smem:$0x3FB7] =	sst s10  }
0x32: {  	s10 =	sld [smem:$0x3FB5];
	_ =	sdelay $0x3  }
0x33: {  	p0 =	seq.s32 s10, $0x1;
	s10 =	sld [smem:$0x3FB7];
	_ =	sdelay $0x3  }
0x34: {  	[smem:$0x3FB7] =	sst s10  }
0x35: {  	s10 =	sld [smem:$0x3FB6];
	_ =	sdelay $0x3  }
0x36: {  	p1 =	seq.s32 s10, $0x1;
	s10 =	sld [smem:$0x3FB7];
	_ =	sdelay $0x3  }
0x37: {  	[smem:$0x3FB7] =	sst s10  }
0x38: {  	s10 =	sld [smem:$0x3FB8]  }
0x39: {  	_ = 	snop;
	(pc) =	sbr.ind lr, $3  }
0x3a: {  	_ = 	snop  }
0x3b: {  	_ = 	snop  }
0x3c: {  	p2 =	seq.s32 s10, $0x1;
	s10 =	sld [smem:$0x3FB7]  }
0x3d: {  	_ =	shalt  }
0x3e: {  	_ =	shalt  }
0x3f: {  	_ =	shalt  }
0x40: {  	_ =	shalt  }
0x41: {  	_ =	shalt  }
0x42: {  	_ =	shalt  }
0x43: {  	_ =	shalt  }
0x44: {  	_ =	shalt  }
0x45: {  	_ =	shalt  }
0x46: {  	_ =	shalt  }
0x47: {  	_ =	shalt  }
0x48: {  	_ =	shalt  }
0x49: {  	_ =	shalt  }
0x4a: {  	_ =	shalt  }
0x4b: {  	_ =	shalt  }
0x4c: {  	_ =	shalt  }
0x4d: {  	_ =	shalt  }
0x4e: {  	_ =	shalt  }
0x4f: {  	_ =	shalt  }
0x50: {  	_ =	shalt  }
0x51: {  	_ =	shalt  }
0x52: {  	_ =	shalt  }
0x53: {  	_ =	shalt  }
0x54: {  	_ =	shalt  }
0x55: {  	_ =	shalt  }
0x56: {  	_ =	shalt  }
0x57: {  	_ =	shalt  }
0x58: {  	_ =	shalt  }
0x59: {  	_ =	shalt  }
0x5a: {  	_ =	shalt  }
0x5b: {  	_ =	shalt  }
0x5c: {  	_ =	shalt  }
0x5d: {  	_ =	shalt  }
0x5e: {  	_ =	shalt  }
0x5f: {  	_ =	shalt  }
0x60: {  	_ =	shalt  }
0x61: {  	_ =	shalt  }
0x62: {  	_ =	shalt  }
0x63: {  	_ =	shalt  }
0x64: {  	_ =	shalt  }
0x65: {  	_ =	shalt  }
0x66: {  	_ =	shalt  }
0x67: {  	_ =	shalt  }
0x68: {  	_ =	shalt  }
0x69: {  	_ =	shalt  }
0x6a: {  	_ =	shalt  }
0x6b: {  	_ =	shalt  }
0x6c: {  	_ =	shalt  }
0x6d: {  	_ =	shalt  }
0x6e: {  	_ =	shalt  }
0x6f: {  	_ =	shalt  }
0x70: {  	_ =	shalt  }
0x71: {  	_ =	shalt  }
0x72: {  	_ =	shalt  }
0x73: {  	_ =	shalt  }
0x74: {  	_ =	shalt  }
0x75: {  	_ =	shalt  }
0x76: {  	_ =	shalt  }
0x77: {  	_ =	shalt  }
0x78: {  	_ =	shalt  }
0x79: {  	_ =	shalt  }
0x7a: {  	_ =	shalt  }
0x7b: {  	_ =	shalt  }
0x7c: {  	_ =	shalt  }
0x7d: {  	_ =	shalt  }
0x7e: {  	_ =	shalt  }
0x7f: {  	_ =	shalt  }
0x80: {  	_ =	shalt  }
0x81: {  	_ =	shalt  }
0x82: {  	_ =	shalt  }
0x83: {  	_ =	shalt  }
0x84: {  	_ =	shalt  }
0x85: {  	_ =	shalt  }
0x86: {  	_ =	shalt  }
0x87: {  	_ =	shalt  }
.Lfunc_end0:
.L_simem_size_0:
called_computation_lowered:
.L_overlay_start_0:
0x88: {  	s2 =	sld [smem:$0x3FD9]  }
0x89: {  	s3 =	sld [smem:$0x3FFE];
	_ =	sdelay $0x1  }
0x8a: {  	s1 =	srdreg.scid  }
0x8b: {  	s0 =	sand.u32 $0x1, s1  }
0x8c: {  	s17 =	sshll.u32 s0, $0xA;
	s2 =	sadd.s32 s3, s2  }
0x8d: {  	s2 =	sadd.s32 s2, s17  }
0x8e: {  	[smem:$0x3FC3] =	sst s2  }
0x8f: {  	_ = 	snop  }
0x90: {  	s2 =	sld [smem:$0x3FD0];
	(tm) =	ssettm $0x1  }
0x91: {  	s18 =	sld [smem:$0x3FFB];
	_ =	sdelay $0x3  }
0x92: {  	_ =	strace s18  }
0x93: {  	s3 =	sld [smem:$0x3FFC];
	_ =	sdelay $0x3  }
0x94: {  	_ =	strace s3  }
0x95: {  	s3 =	sld [smem:$0x3FFD];
	_ =	sdelay $0x3  }
0x96: {  	_ =	strace s3  }
0x97: {  	_ =	strace $0x8FFFFFFF  }
0x98: {  	s19 =	sld [smem:$0x3FDB];
	_ =	sdelay $0x1  }
0x99: {  	s4 =	simm.s32 $_scs_section_size  }
0x9a: {  	s5 =	simm.s32 $_size__tile_overlayer_lowered;
	s6 =	simm.s32 $_tile_overlayer_lowered  }
0x9b: {  	s22 =	simm.s32 $0x1BFF;
	s21 =	sshll.u32 s6, $0x1;
	s3 =	sadd.s32 s4, s19  }
0x9c: {  	s7 =	simm.s32 $0x0;
	s20 =	sshll.u32 s5, $0x1;
	s5 =	sadd.s32 s21, s3  }
0x9d: {  	[timem:s7], [sflag:s22] =	dma.local [hbm:s5], s20  }
0x9e: {  	_ =	swait.ge [sflag:s22], s20  }
0x9f: {  	s4 =	ssub.s32 $0x0, s20;
	[sflag:s22] =	ssyncset.done $0x0  }
0xa0: {  	[sflag:s22] =	ssyncadd.s32 s4;
	_ =	sdelay $0x1  }
0xa1: {  	s23 =	simm.s32 $0x1B8B  }
0xa2: {  	_ =	swait.ge [sflag:s23], $0x1  }
0xa3: {  	[sflag:s23] =	ssyncset.done $0x0  }
0xa4: {  	s25 =	simm.s32 $0x1B8E;
	s24 =	sld [smem:$0x3FFE];
	[sflag:s23] =	ssyncadd.s32 $0xFFFFFFFF  }
0xa5: {  	s26 =	simm.s32 $execute0_lowered;
	[smem:$0x3FD2] =	sst s25  }
0xa6: {  	s5 =	sshll.u32 s26, $0x1;
	_ =	strace $0x80000046;
	[dreg:$0x1] =	wrdreg $0xFFFFFFFF  }
0xa7: {  	s28 =	simm.s32 $_size_execute0_lowered;
	s3 =	sadd.s32 s3, s5;
	[dreg:$0x0] =	wrdreg $0x0  }
0xa8: {  	s5 =	sshll.u32 s28, $0x1;
	[dreg:$0x2] =	wrdreg s3  }
0xa9: {  	[dreg:$0x3] =	wrdreg s5  }
0xaa: {  	[dreg:$0x4] =	wrdreg $0xC0  }
0xab: {  	_ =	task [dreg:s7], $0x5FFFF  }
0xac: {  	[dreg:$0x1] =	wrdreg $0xFFFFFFFF  }
0xad: {  	[dreg:$0x0] =	wrdreg $0x60  }
0xae: {  	[dreg:$0x2] =	wrdreg s24  }
0xaf: {  	[dreg:$0x3] =	wrdreg s2  }
0xb0: {  	[dreg:$0x4] =	wrdreg $0x9  }
0xb1: {  	_ =	task.clear_ibuf [dreg:s7], $0x5FFFF;
	_ =	strace $0x90000046  }
0xb2: {  	s29 =	simm.s32 $0x9;
	_ =	strace $0x80000048  }
0xb3: {  	_ =	swait.ge [sflag:s29], $0x1  }
0xb4: {  	[sflag:s29] =	ssyncadd.s32 $0xFFFFFFFF  }
0xb5: {  	_ =	strace $0x90000048  }
0xb6: {  	_ =	sfence  }
0xb7: {  	s30 =	sld [smem:$0x0];
	_ =	sdelay $0x2  }
0xb8: {  	s31 =	sshll.u32 s1, $0xD;
	s1 =	sshrl.u32 s1, $0x2  }
0xb9: {  	s3 =	sand.u32 $0x4000, s31;
	s1 =	sadd.s32 s1, s30  }
0xba: {  	s0 =	sor.u32 s3, s0;
	s1 =	sshll.u32 s1, $0x11  }
0xbb: {  	s0 =	sor.u32 s1, s0  }
0xbc: {  	s0 =	sadd.s32 $0x8F2B, s0  }
0xbd: {  	[sflag:s0] =	ssyncadd.remote.s32 $0x1  }
0xbe: {  	_ =	sfence.sel $0xFFFF  }
0xbf: {  	[dreg:$0x0] =	wrdreg $0xFFFFFFFF;
	(pc) =	sbr.abs _section_cstart, $3  }
0xc0: {  	[dreg:$0x1] =	wrdreg $0xFFFFFFFF  }
0xc1: {  	_ =	task.clear_ibuf [dreg:s7], $0x2FFFF;
	_ =	strace $0x9FFFFFFF  }
0xc2: {  	(tm) =	ssettm $0x7FFFFFFF  }
0xc3: {  	_ =	shalt  }
tec
execute0_lowered:
.L_overlay_start_1:
0x0: {  	(tag) =	ssettag $0x1  }
0x1: {  	s1 =	srdreg.scid;
	s5 =	rddreg [dreg:$0x0]  }
0x2: {  	s0 =	stileid.u32;
	s9 =	rddreg [dreg:$0x1]  }
0x3: {  	s2 =	simm.s32 $0x0;
	s12 =	simm.s32 $0xB600;
	s13 =	simm.s32 $0x9C00  }
0x4: {  	s14 =	simm.s32 $0x1;
	s15 =	simm.s32 $0x6800;
	s16 =	simm.s32 $0x2  }
0x5: {  	s17 =	simm.s32 $0x3;
	s18 =	simm.s32 $0xB880;
	s19 =	simm.s32 $0x4  }
0x6: {  	s3 =	sand.u32 $0x1, s1;
	s30 =	sshll.u32 s0, $0x1;
	s1 =	rddreg [dreg:$0x2]  }
0x7: {  	s20 =	simm.s32 $0x0;
	[smem:$0x7FF] =	sst s2;
	s10 =	sor.u32 s3, s30  }
0x8: {  	_ =	strace $0x80000047;
	s31 =	ssub.s32 $0x2, s3;
	s4 =	smul.u32 $0x680, s10  }
0x9: {  	s6 =	smul.u32 $0x340, s10;
	s11 =	sshrl.u32 s31, $0x1;
	s10 =	sshll.u32 s10, $0x6  }
0xa: {  	v0 =	vimm.s32 $0x36147250;
	s3 =	sadd.s32 $0x30200, s5;
	s11 =	ssub.s32 s31, s11;
	s9 =	sadd.s32 s9, s10  }
0xb: {  	v2 =	vlaneseq.u32;
	v3 =	vunpack.c.l.s4.s8 v0;
	s7 =	sadd.s32 s4, s5;
	s8 =	sadd.s32 s6, s5;
	s4 =	sadd.s32 $0x20C00, s5  }
0xc: {  	v0 =	vmul.u32 $0x1A, v2;
	v1 =	vand.u32 $0x3, v2;
	s5 =	sadd.s32 $0x3F800, s5;
	s10 =	smax.u32 s11, $0x1;
	s11 =	simm.s32 $0x3400  }
0xd: {  	v2 =	vmul.u32 $0xD, v2;
	v1 =	vmul.u32 $0x2, v1;
	v3 =	vunpack.c.0.s8.s32 v3;
	s6 =	sadd.s32 $0xD400, s7;
	s7 =	sadd.s32 $0x400, s7;
	s8 =	sadd.s32 $0x1A400, s8  }
.LBB2_1:
0xe: {  	[tilespmem:s2], [sflag:$0x1] =	stream.linear.gather [hbm4b:s6+s2], $0x3400, $0x38;
	[tilespmem:$0xBA80] =	vst v63  }
0xf: {  	_ = 	snop  }
0x10: {  	[tilespmem:s11], [sflag:$0x1] =	stream.linear.gather [hbm4b:s7+s2], $0x3400, $0x38;
	[tilespmem:$0xBA80] =	vst v63  }
0x11: {  	_ = 	snop  }
0x12: {  	[tilespmem:s12], [sflag:$0x2] =	stream.linear.gather [hbm4b:s5+s2], $0x280, $0x38;
	[tilespmem:$0xBA80] =	vst v63  }
0x13: {  	_ = 	snop  }
0x14: {  	[tilespmem:s13], [sflag:$0x2] =	stream.linear.gather [hbm4b:s8+s2], $0x1A00, $0x38;
	[tilespmem:$0xBA80] =	vst v63  }
0x15: {  	_ =	swait.ge [sflag:s14], $0x3400  }
0x16: {  	[sflag:s14] =	ssyncset.done $0x0  }
0x17: {  	[sflag:s14] =	ssyncadd.s32 $0xFFFFCC00;
	(ifvalue) =	ssetifvalue $0xFFFFFFFF  }
0x18: {  	(ifvalue) =	ssetifvalue $0xFFFFFFFF  }
0x19: {  	[tilespmem:s15], [sflag:$0x3] =	stream.indirect.gather [hbm4b:s3+s11], $0x1, s2, s11, $0x40b8;
	[tilespmem:$0xBA80] =	vst v63  }
0x1a: {  	_ =	swait.ge [sflag:s14], $0x3400  }
0x1b: {  	[sflag:s14] =	ssyncset.done $0x0  }
0x1c: {  	[sflag:s14] =	ssyncadd.s32 $0xFFFFCC00;
	(ifvalue) =	ssetifvalue $0xFFFFFFFF  }
0x1d: {  	(ifvalue) =	ssetifvalue $0xFFFFFFFF  }
0x1e: {  	[tilespmem:s15], [sflag:$0x3] =	stream.indirect.gather [hbm4b:s4+s11], $0x1, s11, s11, $0x40b8;
	[tilespmem:$0xBA80] =	vst v63  }
0x1f: {  	_ =	swait.ge [sflag:s16], $0x280  }
0x20: {  	[sflag:s16] =	ssyncset.done $0x0  }
0x21: {  	[sflag:s16] =	ssyncadd.s32 $0xFFFFFD80  }
0x22: {  	_ =	swait.ge [sflag:s16], $0x1A00  }
0x23: {  	[sflag:s16] =	ssyncset.done $0x0  }
0x24: {  	s21 =	simm.s32 $0x0;
	[sflag:s16] =	ssyncadd.s32 $0xFFFFE600  }
0x25: {  	v4 =	vadd.s32 s21, v0;
	_ =	swait.ge [sflag:s17], $0x3400  }
0x26: {  	v4 =	vand.u32 $0x7FF8, v4;
	[sflag:s17] =	ssyncset.done $0x0  }
0x27: {  	v4 =	vor.u32 v1, v4;
	[sflag:s17] =	ssyncadd.s32 $0xFFFFCC00  }
0x28: {  	s29 =	simm.s32 $0x1;
	_ =	swait.ge [sflag:s17], $0x3400  }
0x29: {  	v5 =	vadd.s32 s29, v0;
	[sflag:s17] =	ssyncset.done $0x0  }
0x2a: {  	s30 =	simm.s32 $0x2;
	[sflag:s17] =	ssyncadd.s32 $0xFFFFCC00  }
0x2b: {  	v7 =	vadd.s32 s30, v0;
	v6 =	vld [tilespmem:$0xB870]  }
0x2c: {  	s31 =	simm.s32 $0x3;
	v4 =	vld.idx.msk [tilespmem:v4+s15+$0x0], $0xffff  }
0x2d: {  	v9 =	vadd.s32 s31, v0;
	v8 =	vld [tilespmem:$0xB600]  }
0x2e: {  	s22 =	simm.s32 $0x4;
	v5 =	vld.idx.msk [tilespmem:v5+s15+$0x0], $0xffff  }
0x2f: {  	v11 =	vadd.s32 s22, v0;
	v10 =	vld [tilespmem:$0xB610]  }
0x30: {  	s23 =	simm.s32 $0x5;
	v7 =	vld.idx.msk [tilespmem:v7+s15+$0x0], $0xffff  }
0x31: {  	v13 =	vadd.s32 s23, v0;
	v12 =	vld [tilespmem:$0xB620]  }
0x32: {  	s24 =	simm.s32 $0x6;
	v26 =	vld.idx.msk [tilespmem:v9+s15+$0x0], $0xffff;
	v4 =	vmul.f32 v8, v4  }
0x33: {  	v14 =	vadd.s32 s24, v0;
	v27 =	vld [tilespmem:$0xB630]  }
0x34: {  	s25 =	simm.s32 $0x7;
	v28 =	vld.idx.msk [tilespmem:v11+s15+$0x0], $0xffff;
	v5 =	vmul.f32 v10, v5;
	v4 =	vadd.f32 v4, v6  }
0x35: {  	s22 =	simm.s32 $0x8;
	v30 =	vadd.s32 s25, v0;
	v29 =	vld [tilespmem:$0xB640]  }
0x36: {  	v15 =	vadd.s32 s22, v0;
	v31 =	vld.idx.msk [tilespmem:v13+s15+$0x0], $0xffff;
	v4 =	vadd.f32 v5, v4;
	v5 =	vmul.f32 v12, v7  }
0x37: {  	v32 =	vand.u32 $0x7FF8, v15;
	v33 =	vld [tilespmem:$0xB650]  }
0x38: {  	s26 =	simm.s32 $0x9;
	v34 =	vld.idx.msk [tilespmem:v14+s15+$0x0], $0xffff;
	v12 =	vor.u32 v1, v32;
	v4 =	vadd.f32 v5, v4;
	v5 =	vmul.f32 v27, v26  }
0x39: {  	v36 =	vadd.s32 s26, v0;
	v35 =	vld [tilespmem:$0xB660]  }
0x3a: {  	s28 =	simm.s32 $0xA;
	v37 =	vld.idx.msk [tilespmem:v30+s15+$0x0], $0xffff;
	v4 =	vadd.f32 v5, v4;
	v5 =	vmul.f32 v29, v28  }
0x3b: {  	v39 =	vadd.s32 s28, v0;
	v38 =	vld [tilespmem:$0xB670]  }
0x3c: {  	s29 =	simm.s32 $0xB;
	v41 =	vld [tilespmem:$0xB680];
	v4 =	vadd.f32 v5, v4;
	v5 =	vmul.f32 v33, v31  }
0x3d: {  	v42 =	vadd.s32 s29, v0;
	v40 =	vld.idx.msk [tilespmem:v12+s15+$0x0], $0xffff  }
0x3e: {  	s30 =	simm.s32 $0xC;
	v43 =	vld.idx.msk [tilespmem:v36+s15+$0x0], $0xffff;
	v4 =	vadd.f32 v5, v4;
	v5 =	vmul.f32 v35, v34  }
0x3f: {  	v45 =	vadd.s32 s30, v0;
	v44 =	vld [tilespmem:$0xB690]  }
0x40: {  	s31 =	simm.s32 $0xD;
	v46 =	vld.idx.msk [tilespmem:v39+s15+$0x0], $0xffff;
	v4 =	vadd.f32 v5, v4;
	v5 =	vmul.f32 v38, v37  }
0x41: {  	v48 =	vadd.s32 s31, v0;
	v47 =	vld [tilespmem:$0xB6A0]  }
0x42: {  	s22 =	simm.s32 $0xE;
	v49 =	vld.idx.msk [tilespmem:v42+s15+$0x0], $0xffff;
	v4 =	vadd.f32 v5, v4;
	v5 =	vmul.f32 v41, v40  }
0x43: {  	v51 =	vadd.s32 s22, v0;
	v50 =	vld [tilespmem:$0xB6B0]  }
0x44: {  	s23 =	simm.s32 $0xF;
	v52 =	vld.idx.msk [tilespmem:v45+s15+$0x0], $0xffff;
	v4 =	vadd.f32 v5, v4;
	v5 =	vmul.f32 v44, v43  }
0x45: {  	s24 =	simm.s32 $0x10;
	v54 =	vadd.s32 s23, v0;
	v53 =	vld [tilespmem:$0xB6C0]  }
0x46: {  	v55 =	vadd.s32 s24, v0;
	v56 =	vld.idx.msk [tilespmem:v48+s15+$0x0], $0xffff;
	v4 =	vadd.f32 v5, v4;
	v5 =	vmul.f32 v47, v46  }
0x47: {  	v57 =	vand.u32 $0x7FF8, v55;
	v58 =	vld [tilespmem:$0xB6D0]  }
0x48: {  	s25 =	simm.s32 $0x11;
	v59 =	vld.idx.msk [tilespmem:v51+s15+$0x0], $0xffff;
	v10 =	vor.u32 v1, v57;
	v4 =	vadd.f32 v5, v4;
	v5 =	vmul.f32 v50, v49  }
0x49: {  	v61 =	vadd.s32 s25, v0;
	v60 =	vld [tilespmem:$0xB6E0]  }
0x4a: {  	s26 =	simm.s32 $0x12;
	v62 =	vld.idx.msk [tilespmem:v54+s15+$0x0], $0xffff;
	v4 =	vadd.f32 v5, v4;
	v5 =	vmul.f32 v53, v52  }
0x4b: {  	v16 =	vadd.s32 s26, v0;
	v63 =	vld [tilespmem:$0xB6F0]  }
0x4c: {  	s28 =	simm.s32 $0x13;
	v18 =	vld [tilespmem:$0xB700];
	v4 =	vadd.f32 v5, v4;
	v5 =	vmul.f32 v58, v56  }
0x4d: {  	v19 =	vadd.s32 s28, v0;
	v17 =	vld.idx.msk [tilespmem:v10+s15+$0x0], $0xffff  }
0x4e: {  	v20 =	vld.idx.msk [tilespmem:v61+s15+$0x0], $0xffff;
	v4 =	vadd.f32 v5, v4;
	v5 =	vmul.f32 v60, v59  }
0x4f: {  	s29 =	simm.s32 $0x14;
	v21 =	vld [tilespmem:$0xB710]  }
0x50: {  	s30 =	simm.s32 $0x15;
	v22 =	vadd.s32 s29, v0;
	v23 =	vld.idx.msk [tilespmem:v16+s15+$0x0], $0xffff;
	v4 =	vadd.f32 v5, v4;
	v5 =	vmul.f32 v63, v62  }
0x51: {  	v25 =	vadd.s32 s30, v0;
	v24 =	vld [tilespmem:$0xB720]  }
0x52: {  	s31 =	simm.s32 $0x16;
	v26 =	vld.idx.msk [tilespmem:v19+s15+$0x0], $0xffff;
	v4 =	vadd.f32 v5, v4;
	v5 =	vmul.f32 v18, v17  }
0x53: {  	v27 =	vld [tilespmem:$0xB730];
	v28 =	vadd.s32 s31, v0  }
0x54: {  	s23 =	simm.s32 $0x18;
	s22 =	simm.s32 $0x17;
	v30 =	vld [tilespmem:$0xB740];
	v4 =	vadd.f32 v5, v4;
	v5 =	vmul.f32 v21, v20  }
0x55: {  	v32 =	vadd.s32 s23, v0;
	v29 =	vld.idx.msk [tilespmem:v22+s15+$0x0], $0xffff;
	v31 =	vadd.s32 s22, v0  }
0x56: {  	v33 =	vld.idx.msk [tilespmem:v25+s15+$0x0], $0xffff;
	v34 =	vand.u32 $0x7FF8, v32;
	v4 =	vadd.f32 v5, v4;
	v5 =	vmul.f32 v24, v23  }
0x57: {  	v35 =	vld [tilespmem:$0xB750];
	v9 =	vor.u32 v1, v34  }
0x58: {  	s24 =	simm.s32 $0x19;
	s25 =	simm.s32 $0x0;
	v36 =	vld.idx.msk [tilespmem:v28+s15+$0x0], $0xffff;
	v4 =	vadd.f32 v5, v4;
	v5 =	vmul.f32 v27, v26  }
0x59: {  	v39 =	vadd.s32 s25, v2;
	v37 =	vld [tilespmem:$0xB760];
	v38 =	vadd.s32 s24, v0  }
0x5a: {  	v42 =	vld [tilespmem:$0xB770];
	v41 =	vand.u32 $0x3FF8, v39;
	v4 =	vadd.f32 v5, v4;
	v5 =	vmul.f32 v30, v29  }
0x5b: {  	v40 =	vld.idx.msk [tilespmem:v31+s15+$0x0], $0xffff;
	v12 =	vor.u32 v3, v41  }
0x5c: {  	s26 =	simm.s32 $0x1;
	v43 =	vld.idx.msk [tilespmem:v9+s15+$0x0], $0xffff;
	v4 =	vadd.f32 v5, v4;
	v5 =	vmul.f32 v35, v33  }
0x5d: {  	v45 =	vadd.s32 s26, v2;
	v44 =	vld [tilespmem:$0xB780]  }
0x5e: {  	s28 =	simm.s32 $0x2;
	v46 =	vld.idx.msk [tilespmem:v38+s15+$0x0], $0xffff;
	v4 =	vadd.f32 v5, v4;
	v5 =	vmul.f32 v37, v36  }
0x5f: {  	v48 =	vadd.s32 s28, v2;
	v47 =	vld [tilespmem:$0xB790]  }
0x60: {  	s29 =	simm.s32 $0x3;
	v49 =	vld.idx.msk [tilespmem:v12+s13+$0x0], $0xffff;
	v4 =	vadd.f32 v5, v4;
	v5 =	vmul.f32 v42, v40  }
0x61: {  	v51 =	vadd.s32 s29, v2;
	v50 =	vld [tilespmem:$0xB7A0]  }
0x62: {  	s30 =	simm.s32 $0x4;
	v52 =	vld.idx.msk [tilespmem:v45+s13+$0x0], $0xffff;
	v4 =	vadd.f32 v5, v4;
	v5 =	vmul.f32 v44, v43  }
0x63: {  	v54 =	vadd.s32 s30, v2;
	v53 =	vld [tilespmem:$0xB7B0]  }
0x64: {  	v55 =	vld.idx.msk [tilespmem:v48+s13+$0x0], $0xffff;
	s31 =	simm.s32 $0x5;
	v4 =	vadd.f32 v5, v4;
	v5 =	vmul.f32 v47, v46  }
0x65: {  	v57 =	vadd.s32 s31, v2;
	v56 =	vld [tilespmem:$0xB7C0]  }
0x66: {  	s22 =	simm.s32 $0x6;
	v58 =	vld.idx.msk [tilespmem:v51+s13+$0x0], $0xffff;
	v4 =	vadd.f32 v5, v4;
	v5 =	vmul.f32 v50, v49  }
0x67: {  	v59 =	vld [tilespmem:$0xB7D0];
	v60 =	vadd.s32 s22, v2  }
0x68: {  	v61 =	vld.idx.msk [tilespmem:v54+s13+$0x0], $0xffff;
	s23 =	simm.s32 $0x7;
	s24 =	simm.s32 $0x8;
	v4 =	vadd.f32 v5, v4;
	v5 =	vmul.f32 v53, v52  }
0x69: {  	v62 =	vld [tilespmem:$0xB7E0];
	v63 =	vadd.s32 s23, v2;
	v18 =	vadd.s32 s24, v2  }
0x6a: {  	v19 =	vld.idx.msk [tilespmem:v57+s13+$0x0], $0xffff;
	v20 =	vand.u32 $0x3FF8, v18;
	v4 =	vadd.f32 v5, v4;
	v5 =	vmul.f32 v56, v55  }
0x6b: {  	v21 =	vld [tilespmem:$0xB7F0];
	v10 =	vor.u32 v3, v20  }
0x6c: {  	v22 =	vld.idx.msk [tilespmem:v60+s13+$0x0], $0xffff;
	v4 =	vadd.f32 v5, v4;
	v5 =	vmul.f32 v59, v58  }
0x6d: {  	s25 =	simm.s32 $0x9;
	v23 =	vld [tilespmem:$0xB800]  }
0x6e: {  	v25 =	vld.idx.msk [tilespmem:v63+s13+$0x0], $0xffff;
	v24 =	vadd.s32 s25, v2;
	v4 =	vadd.f32 v5, v4;
	v5 =	vmul.f32 v62, v61  }
0x6f: {  	s26 =	simm.s32 $0xA;
	v26 =	vld [tilespmem:$0xB810]  }
0x70: {  	v27 =	vadd.s32 s26, v2;
	v28 =	vld.idx.msk [tilespmem:v10+s13+$0x0], $0xffff;
	v4 =	vadd.f32 v5, v4;
	v5 =	vmul.f32 v21, v19  }
0x71: {  	s28 =	simm.s32 $0xB;
	v29 =	vld [tilespmem:$0xB820]  }
0x72: {  	v32 =	vld [tilespmem:$0xB830];
	v30 =	vadd.s32 s28, v2;
	v4 =	vadd.f32 v5, v4;
	v5 =	vmul.f32 v23, v22  }
0x73: {  	s29 =	simm.s32 $0xC;
	v31 =	vld.idx.msk [tilespmem:v24+s13+$0x0], $0xffff  }
0x74: {  	v33 =	vadd.s32 s29, v2;
	v35 =	vld [tilespmem:$0xB840];
	v4 =	vadd.f32 v5, v4;
	v5 =	vmul.f32 v26, v25  }
0x75: {  	v34 =	vld.idx.msk [tilespmem:v27+s13+$0x0], $0xffff  }
0x76: {  	v37 =	vld [tilespmem:$0xB850];
	v4 =	vadd.f32 v5, v4;
	v5 =	vmul.f32 v29, v28  }
0x77: {  	v36 =	vld.idx.msk [tilespmem:v30+s13+$0x0], $0xffff  }
0x78: {  	v39 =	vld [tilespmem:$0xB860];
	v4 =	vadd.f32 v5, v4;
	v5 =	vmul.f32 v32, v31  }
0x79: {  	v38 =	vld.idx.msk [tilespmem:v33+s13+$0x0], $0xffff  }
0x7a: {  	v4 =	vadd.f32 v5, v4;
	v5 =	vmul.f32 v35, v34;
	_ =	sdelay $0x1  }
0x7b: {  	v4 =	vadd.f32 v5, v4;
	v5 =	vmul.f32 v37, v36;
	_ =	sdelay $0x1  }
0x7c: {  	v4 =	vadd.f32 v5, v4;
	v5 =	vmul.f32 v39, v38;
	_ =	sdelay $0x1  }
0x7d: {  	v4 =	vadd.f32 v5, v4;
	_ =	sdelay $0x1  }
0x7e: {  	v4 =	vsub.f32 $0.0e+00, v4;
	_ =	sdelay $0x1  }
0x7f: {  	v4 =	vmul.f32 $1.442695020e+00, v4;
	_ =	sdelay $0x1  }
0x80: {  	(erf) = vpow2.f32 v4;
	_ =	sdelay $0x8  }
0x81: {  	v4 =	vpop (erf)  }
0x82: {  	v4 =	vadd.f32 $1.000000000e+00, v4;
	_ =	sdelay $0x1  }
0x83: {  	(erf) = vrcp.f32 v4;
	_ =	sdelay $0x3  }
0x84: {  	s30 =	simm.s32 $0x1A0  }
0x85: {  	v4 =	vadd.s32 s30, v0  }
0x86: {  	v4 =	vand.u32 $0x7FF8, v4  }
0x87: {  	v4 =	vor.u32 v1, v4  }
0x88: {  	s31 =	simm.s32 $0x1A1  }
0x89: {  	v5 =	vadd.s32 s31, v0;
	v40 =	vpop (erf)  }
0x8a: {  	s22 =	simm.s32 $0x1A2;
	[tilespmem:s18+$0x0] =	vst v40  }
0x8b: {  	v41 =	vadd.s32 s22, v0;
	v6 =	vld [tilespmem:$0xB870]  }
0x8c: {  	s23 =	simm.s32 $0x1A3;
	v4 =	vld.idx.msk [tilespmem:v4+s15+$0x0], $0xffff  }
0x8d: {  	v43 =	vadd.s32 s23, v0;
	v42 =	vld [tilespmem:$0xB600]  }
0x8e: {  	s24 =	simm.s32 $0x1A4;
	v5 =	vld.idx.msk [tilespmem:v5+s15+$0x0], $0xffff  }
0x8f: {  	v45 =	vadd.s32 s24, v0;
	v44 =	vld [tilespmem:$0xB610]  }
0x90: {  	s25 =	simm.s32 $0x1A5;
	v7 =	vld.idx.msk [tilespmem:v41+s15+$0x0], $0xffff  }
0x91: {  	v47 =	vadd.s32 s25, v0;
	v46 =	vld [tilespmem:$0xB620]  }
0x92: {  	s26 =	simm.s32 $0x1A6;
	v48 =	vld.idx.msk [tilespmem:v43+s15+$0x0], $0xffff;
	v4 =	vmul.f32 v42, v4  }
0x93: {  	v50 =	vadd.s32 s26, v0;
	v49 =	vld [tilespmem:$0xB630]  }
0x94: {  	s28 =	simm.s32 $0x1A7;
	s29 =	simm.s32 $0x1A8;
	v51 =	vld.idx.msk [tilespmem:v45+s15+$0x0], $0xffff;
	v5 =	vmul.f32 v44, v5;
	v4 =	vadd.f32 v4, v6  }
0x95: {  	v54 =	vadd.s32 s29, v0;
	v53 =	vadd.s32 s28, v0;
	v52 =	vld [tilespmem:$0xB640]  }
0x96: {  	v56 =	vand.u32 $0x7FF8, v54;
	v55 =	vld.idx.msk [tilespmem:v47+s15+$0x0], $0xffff;
	v4 =	vadd.f32 v5, v4;
	v5 =	vmul.f32 v46, v7  }
0x97: {  	v12 =	vor.u32 v1, v56;
	v57 =	vld [tilespmem:$0xB650]  }
0x98: {  	s30 =	simm.s32 $0x1A9;
	v58 =	vld.idx.msk [tilespmem:v50+s15+$0x0], $0xffff;
	v4 =	vadd.f32 v5, v4;
	v5 =	vmul.f32 v49, v48  }
0x99: {  	v60 =	vadd.s32 s30, v0;
	v59 =	vld [tilespmem:$0xB660]  }
0x9a: {  	s31 =	simm.s32 $0x1AA;
	v61 =	vld.idx.msk [tilespmem:v53+s15+$0x0], $0xffff;
	v4 =	vadd.f32 v5, v4;
	v5 =	vmul.f32 v52, v51  }
0x9b: {  	v63 =	vadd.s32 s31, v0;
	v62 =	vld [tilespmem:$0xB670]  }
0x9c: {  	s22 =	simm.s32 $0x1AB;
	v16 =	vld.idx.msk [tilespmem:v12+s15+$0x0], $0xffff;
	v4 =	vadd.f32 v5, v4;
	v5 =	vmul.f32 v57, v55  }
0x9d: {  	v18 =	vadd.s32 s22, v0;
	v17 =	vld [tilespmem:$0xB680]  }
0x9e: {  	s23 =	simm.s32 $0x1AC;
	v19 =	vld.idx.msk [tilespmem:v60+s15+$0x0], $0xffff;
	v4 =	vadd.f32 v5, v4;
	v5 =	vmul.f32 v59, v58  }
0x9f: {  	v21 =	vadd.s32 s23, v0;
	v20 =	vld [tilespmem:$0xB690]  }
0xa0: {  	s24 =	simm.s32 $0x1AD;
	v22 =	vld.idx.msk [tilespmem:v63+s15+$0x0], $0xffff;
	v4 =	vadd.f32 v5, v4;
	v5 =	vmul.f32 v62, v61  }
0xa1: {  	v24 =	vadd.s32 s24, v0;
	v23 =	vld [tilespmem:$0xB6A0]  }
0xa2: {  	s25 =	simm.s32 $0x1AE;
	v25 =	vld.idx.msk [tilespmem:v18+s15+$0x0], $0xffff;
	v4 =	vadd.f32 v5, v4;
	v5 =	vmul.f32 v17, v16  }
0xa3: {  	v27 =	vadd.s32 s25, v0;
	v26 =	vld [tilespmem:$0xB6B0]  }
0xa4: {  	s26 =	simm.s32 $0x1AF;
	s28 =	simm.s32 $0x1B0;
	v28 =	vld.idx.msk [tilespmem:v21+s15+$0x0], $0xffff;
	v4 =	vadd.f32 v5, v4;
	v5 =	vmul.f32 v20, v19  }
0xa5: {  	v30 =	vadd.s32 s26, v0;
	v31 =	vadd.s32 s28, v0;
	v29 =	vld [tilespmem:$0xB6C0]  }
0xa6: {  	v33 =	vand.u32 $0x7FF8, v31;
	v32 =	vld.idx.msk [tilespmem:v24+s15+$0x0], $0xffff;
	v4 =	vadd.f32 v5, v4;
	v5 =	vmul.f32 v23, v22  }
0xa7: {  	v10 =	vor.u32 v1, v33;
	v34 =	vld [tilespmem:$0xB6D0]  }
0xa8: {  	v35 =	vld.idx.msk [tilespmem:v27+s15+$0x0], $0xffff;
	v4 =	vadd.f32 v5, v4;
	v5 =	vmul.f32 v26, v25  }
0xa9: {  	s29 =	simm.s32 $0x1B1;
	v36 =	vld [tilespmem:$0xB6E0]  }
0xaa: {  	v37 =	vadd.s32 s29, v0;
	s30 =	simm.s32 $0x1B2;
	v38 =	vld.idx.msk [tilespmem:v30+s15+$0x0], $0xffff;
	v4 =	vadd.f32 v5, v4;
	v5 =	vmul.f32 v29, v28  }
0xab: {  	v40 =	vadd.s32 s30, v0;
	v39 =	vld [tilespmem:$0xB6F0]  }
0xac: {  	s31 =	simm.s32 $0x1B3;
	v41 =	vld.idx.msk [tilespmem:v10+s15+$0x0], $0xffff;
	v4 =	vadd.f32 v5, v4;
	v5 =	vmul.f32 v34, v32  }
0xad: {  	v43 =	vadd.s32 s31, v0;
	v42 =	vld [tilespmem:$0xB700]  }
0xae: {  	v45 =	vld [tilespmem:$0xB710];
	v4 =	vadd.f32 v5, v4;
	v5 =	vmul.f32 v36, v35  }
0xaf: {  	s22 =	simm.s32 $0x1B4;
	v44 =	vld.idx.msk [tilespmem:v37+s15+$0x0], $0xffff  }
0xb0: {  	s23 =	simm.s32 $0x1B5;
	v47 =	vld.idx.msk [tilespmem:v40+s15+$0x0], $0xffff;
	v46 =	vadd.s32 s22, v0;
	v4 =	vadd.f32 v5, v4;
	v5 =	vmul.f32 v39, v38  }
0xb1: {  	v48 =	vld [tilespmem:$0xB720];
	v49 =	vadd.s32 s23, v0  }
0xb2: {  	s24 =	simm.s32 $0x1B6;
	v50 =	vld.idx.msk [tilespmem:v43+s15+$0x0], $0xffff;
	v4 =	vadd.f32 v5, v4;
	v5 =	vmul.f32 v42, v41  }
0xb3: {  	v51 =	vld [tilespmem:$0xB730];
	v52 =	vadd.s32 s24, v0  }
0xb4: {  	s25 =	simm.s32 $0x1B7;
	s26 =	simm.s32 $0x1B8;
	v54 =	vld [tilespmem:$0xB740];
	v4 =	vadd.f32 v5, v4;
	v5 =	vmul.f32 v45, v44  }
0xb5: {  	v56 =	vadd.s32 s26, v0;
	v53 =	vld.idx.msk [tilespmem:v46+s15+$0x0], $0xffff;
	v55 =	vadd.s32 s25, v0  }
0xb6: {  	v57 =	vld.idx.msk [tilespmem:v49+s15+$0x0], $0xffff;
	v58 =	vand.u32 $0x7FF8, v56;
	v4 =	vadd.f32 v5, v4;
	v5 =	vmul.f32 v48, v47  }
0xb7: {  	v59 =	vld [tilespmem:$0xB750];
	v9 =	vor.u32 v1, v58  }
0xb8: {  	s28 =	simm.s32 $0x1B9;
	s29 =	simm.s32 $0xD0;
	v60 =	vld.idx.msk [tilespmem:v52+s15+$0x0], $0xffff;
	v4 =	vadd.f32 v5, v4;
	v5 =	vmul.f32 v51, v50  }
0xb9: {  	v63 =	vadd.s32 s29, v2;
	v61 =	vld [tilespmem:$0xB760];
	v62 =	vadd.s32 s28, v0  }
0xba: {  	v18 =	vld.idx.msk [tilespmem:v55+s15+$0x0], $0xffff;
	v19 =	vand.u32 $0x3FF8, v63;
	v4 =	vadd.f32 v5, v4;
	v5 =	vmul.f32 v54, v53  }
0xbb: {  	v20 =	vld [tilespmem:$0xB770];
	v12 =	vor.u32 v3, v19  }
0xbc: {  	v21 =	vld.idx.msk [tilespmem:v9+s15+$0x0], $0xffff;
	v4 =	vadd.f32 v5, v4;
	v5 =	vmul.f32 v59, v57  }
0xbd: {  	s30 =	simm.s32 $0xD1;
	v22 =	vld [tilespmem:$0xB780]  }
0xbe: {  	v24 =	vld.idx.msk [tilespmem:v62+s15+$0x0], $0xffff;
	v23 =	vadd.s32 s30, v2;
	v4 =	vadd.f32 v5, v4;
	v5 =	vmul.f32 v61, v60  }
0xbf: {  	s31 =	simm.s32 $0xD2;
	v25 =	vld [tilespmem:$0xB790]  }
0xc0: {  	v26 =	vadd.s32 s31, v2;
	v27 =	vld.idx.msk [tilespmem:v12+s13+$0x0], $0xffff;
	v4 =	vadd.f32 v5, v4;
	v5 =	vmul.f32 v20, v18  }
0xc1: {  	s22 =	simm.s32 $0xD3;
	v28 =	vld [tilespmem:$0xB7A0]  }
0xc2: {  	v31 =	vld [tilespmem:$0xB7B0];
	v29 =	vadd.s32 s22, v2;
	v4 =	vadd.f32 v5, v4;
	v5 =	vmul.f32 v22, v21  }
0xc3: {  	s23 =	simm.s32 $0xD4;
	v30 =	vld.idx.msk [tilespmem:v23+s13+$0x0], $0xffff  }
0xc4: {  	s24 =	simm.s32 $0xD5;
	v32 =	vadd.s32 s23, v2;
	v34 =	vld [tilespmem:$0xB7C0];
	v4 =	vadd.f32 v5, v4;
	v5 =	vmul.f32 v25, v24  }
0xc5: {  	v33 =	vld.idx.msk [tilespmem:v26+s13+$0x0], $0xffff;
	v35 =	vadd.s32 s24, v2  }
0xc6: {  	v37 =	vld [tilespmem:$0xB7D0];
	s25 =	simm.s32 $0xD6;
	v4 =	vadd.f32 v5, v4;
	v5 =	vmul.f32 v28, v27  }
0xc7: {  	v36 =	vld.idx.msk [tilespmem:v29+s13+$0x0], $0xffff;
	v38 =	vadd.s32 s25, v2  }
0xc8: {  	s26 =	simm.s32 $0xD7;
	v40 =	vld [tilespmem:$0xB7E0];
	s28 =	simm.s32 $0xD8;
	v4 =	vadd.f32 v5, v4;
	v5 =	vmul.f32 v31, v30  }
0xc9: {  	v39 =	vld.idx.msk [tilespmem:v32+s13+$0x0], $0xffff;
	v41 =	vadd.s32 s26, v2;
	v42 =	vadd.s32 s28, v2  }
0xca: {  	v43 =	vld.idx.msk [tilespmem:v35+s13+$0x0], $0xffff;
	v44 =	vand.u32 $0x3FF8, v42;
	v4 =	vadd.f32 v5, v4;
	v5 =	vmul.f32 v34, v33  }
0xcb: {  	v45 =	vld [tilespmem:$0xB7F0];
	v10 =	vor.u32 v3, v44  }
0xcc: {  	v46 =	vld.idx.msk [tilespmem:v38+s13+$0x0], $0xffff;
	v4 =	vadd.f32 v5, v4;
	v5 =	vmul.f32 v37, v36  }
0xcd: {  	s29 =	simm.s32 $0xD9;
	v47 =	vld [tilespmem:$0xB800]  }
0xce: {  	v48 =	vadd.s32 s29, v2;
	v49 =	vld.idx.msk [tilespmem:v41+s13+$0x0], $0xffff;
	v4 =	vadd.f32 v5, v4;
	v5 =	vmul.f32 v40, v39  }
0xcf: {  	s30 =	simm.s32 $0xDA;
	v50 =	vld [tilespmem:$0xB810]  }
0xd0: {  	v51 =	vadd.s32 s30, v2;
	v52 =	vld.idx.msk [tilespmem:v10+s13+$0x0], $0xffff;
	v4 =	vadd.f32 v5, v4;
	v5 =	vmul.f32 v45, v43  }
0xd1: {  	s31 =	simm.s32 $0xDB;
	v53 =	vld [tilespmem:$0xB820]  }
0xd2: {  	v56 =	vld [tilespmem:$0xB830];
	v54 =	vadd.s32 s31, v2;
	v4 =	vadd.f32 v5, v4;
	v5 =	vmul.f32 v47, v46  }
0xd3: {  	s21 =	simm.s32 $0xDC;
	v55 =	vld.idx.msk [tilespmem:v48+s13+$0x0], $0xffff  }
0xd4: {  	v57 =	vadd.s32 s21, v2;
	v59 =	vld [tilespmem:$0xB840];
	v4 =	vadd.f32 v5, v4;
	v5 =	vmul.f32 v50, v49  }
0xd5: {  	v58 =	vld.idx.msk [tilespmem:v51+s13+$0x0], $0xffff  }
0xd6: {  	v61 =	vld [tilespmem:$0xB850];
	v4 =	vadd.f32 v5, v4;
	v5 =	vmul.f32 v53, v52  }
0xd7: {  	v60 =	vld.idx.msk [tilespmem:v54+s13+$0x0], $0xffff  }
0xd8: {  	v63 =	vld [tilespmem:$0xB860];
	v4 =	vadd.f32 v5, v4;
	v5 =	vmul.f32 v56, v55  }
0xd9: {  	v62 =	vld.idx.msk [tilespmem:v57+s13+$0x0], $0xffff  }
0xda: {  	v4 =	vadd.f32 v5, v4;
	v5 =	vmul.f32 v59, v58;
	_ =	sdelay $0x1  }
0xdb: {  	v4 =	vadd.f32 v5, v4;
	v5 =	vmul.f32 v61, v60;
	_ =	sdelay $0x1  }
0xdc: {  	v4 =	vadd.f32 v5, v4;
	v5 =	vmul.f32 v63, v62;
	_ =	sdelay $0x1  }
0xdd: {  	v4 =	vadd.f32 v5, v4;
	_ =	sdelay $0x1  }
0xde: {  	v4 =	vsub.f32 $0.0e+00, v4;
	_ =	sdelay $0x1  }
0xdf: {  	v4 =	vmul.f32 $1.442695020e+00, v4;
	_ =	sdelay $0x1  }
0xe0: {  	(erf) = vpow2.f32 v4;
	_ =	sdelay $0x8  }
0xe1: {  	v4 =	vpop (erf)  }
0xe2: {  	v4 =	vadd.f32 $1.000000000e+00, v4;
	_ =	sdelay $0x1  }
0xe3: {  	(erf) = vrcp.f32 v4;
	_ =	sdelay $0x2  }
0xe4: {  	s22 =	simm.s32 $0x359  }
0xe5: {  	s23 =	simm.s32 $0xB880;
	s24 =	simm.s32 $0x4F9;
	s25 =	simm.s32 $0x340  }
.LBB2_2:
0xe6: {  	p0 =	sne.s32 s24, $0x3279;
	v4 =	vadd.s32 s25, v0  }
0xe7: {  	v4 =	vand.u32 $0x7FF8, v4  }
0xe8: {  	v4 =	vor.u32 v1, v4  }
0xe9: {  	s25 =	sadd.s32 $0xFFFFFFE8, s22  }
0xea: {  	s23 =	sadd.s32 $0x10, s23;
	v5 =	vadd.s32 s25, v0;
	v6 =	vpop (erf)  }
0xeb: {  	s25 =	sadd.s32 $0xFFFFFFE9, s22;
	[tilespmem:s23+$0x0] =	vst v6  }
0xec: {  	v7 =	vadd.s32 s25, v0;
	v6 =	vld [tilespmem:$0xB870]  }
0xed: {  	s25 =	sadd.s32 $0xFFFFFFEA, s22;
	v4 =	vld.idx.msk [tilespmem:v4+s15+$0x0], $0xffff  }
0xee: {  	v9 =	vadd.s32 s25, v0;
	v8 =	vld [tilespmem:$0xB600]  }
0xef: {  	s25 =	sadd.s32 $0xFFFFFFEB, s22;
	v5 =	vld.idx.msk [tilespmem:v5+s15+$0x0], $0xffff  }
0xf0: {  	v11 =	vadd.s32 s25, v0;
	v10 =	vld [tilespmem:$0xB610]  }
0xf1: {  	s25 =	sadd.s32 $0xFFFFFFEC, s22;
	v7 =	vld.idx.msk [tilespmem:v7+s15+$0x0], $0xffff  }
0xf2: {  	v13 =	vadd.s32 s25, v0;
	v12 =	vld [tilespmem:$0xB620]  }
0xf3: {  	s25 =	sadd.s32 $0xFFFFFFED, s22;
	v4 =	vmul.f32 v8, v4;
	v8 =	vld.idx.msk [tilespmem:v9+s15+$0x0], $0xffff  }
0xf4: {  	v14 =	vadd.s32 s25, v0;
	v9 =	vld [tilespmem:$0xB630]  }
0xf5: {  	s26 =	sadd.s32 $0xFFFFFFEF, s22;
	s25 =	sadd.s32 $0xFFFFFFEE, s22;
	v4 =	vadd.f32 v4, v6;
	v5 =	vmul.f32 v10, v5;
	v6 =	vld.idx.msk [tilespmem:v11+s15+$0x0], $0xffff  }
0xf6: {  	v15 =	vadd.s32 s26, v0;
	v11 =	vadd.s32 s25, v0;
	v10 =	vld [tilespmem:$0xB640]  }
0xf7: {  	v4 =	vadd.f32 v5, v4;
	v5 =	vmul.f32 v12, v7;
	v7 =	vld.idx.msk [tilespmem:v13+s15+$0x0], $0xffff;
	v12 =	vand.u32 $0x7FF8, v15  }
0xf8: {  	v13 =	vld [tilespmem:$0xB650];
	v12 =	vor.u32 v1, v12  }
0xf9: {  	s25 =	sadd.s32 $0xFFFFFFF0, s22;
	v4 =	vadd.f32 v5, v4;
	v5 =	vmul.f32 v9, v8;
	v8 =	vld.idx.msk [tilespmem:v14+s15+$0x0], $0xffff  }
0xfa: {  	v14 =	vadd.s32 s25, v0;
	v9 =	vld [tilespmem:$0xB660]  }
0xfb: {  	s25 =	sadd.s32 $0xFFFFFFF1, s22;
	v4 =	vadd.f32 v5, v4;
	v5 =	vmul.f32 v10, v6;
	v6 =	vld.idx.msk [tilespmem:v11+s15+$0x0], $0xffff  }
0xfc: {  	v11 =	vadd.s32 s25, v0;
	v10 =	vld [tilespmem:$0xB670]  }
0xfd: {  	s25 =	sadd.s32 $0xFFFFFFF2, s22;
	v4 =	vadd.f32 v5, v4;
	v5 =	vmul.f32 v13, v7;
	v7 =	vld.idx.msk [tilespmem:v12+s15+$0x0], $0xffff  }
0xfe: {  	v13 =	vadd.s32 s25, v0;
	v12 =	vld [tilespmem:$0xB680]  }
0xff: {  	s25 =	sadd.s32 $0xFFFFFFF3, s22;
	v4 =	vadd.f32 v5, v4;
	v5 =	vmul.f32 v9, v8;
	v8 =	vld.idx.msk [tilespmem:v14+s15+$0x0], $0xffff  }
0x100: {  	v14 =	vadd.s32 s25, v0;
	v9 =	vld [tilespmem:$0xB690]  }
0x101: {  	s25 =	sadd.s32 $0xFFFFFFF4, s22;
	v4 =	vadd.f32 v5, v4;
	v5 =	vmul.f32 v10, v6;
	v6 =	vld.idx.msk [tilespmem:v11+s15+$0x0], $0xffff  }
0x102: {  	v11 =	vadd.s32 s25, v0;
	v10 =	vld [tilespmem:$0xB6A0]  }
0x103: {  	s25 =	sadd.s32 $0xFFFFFFF5, s22;
	v4 =	vadd.f32 v5, v4;
	v5 =	vmul.f32 v12, v7;
	v7 =	vld.idx.msk [tilespmem:v13+s15+$0x0], $0xffff  }
0x104: {  	v13 =	vadd.s32 s25, v0;
	v12 =	vld [tilespmem:$0xB6B0]  }
0x105: {  	s26 =	sadd.s32 $0xFFFFFFF7, s22;
	s25 =	sadd.s32 $0xFFFFFFF6, s22;
	v4 =	vadd.f32 v5, v4;
	v5 =	vmul.f32 v9, v8;
	v8 =	vld.idx.msk [tilespmem:v14+s15+$0x0], $0xffff  }
0x106: {  	v15 =	vadd.s32 s26, v0;
	v14 =	vadd.s32 s25, v0;
	v9 =	vld [tilespmem:$0xB6C0]  }
0x107: {  	v4 =	vadd.f32 v5, v4;
	v5 =	vmul.f32 v10, v6;
	v6 =	vld.idx.msk [tilespmem:v11+s15+$0x0], $0xffff;
	v10 =	vand.u32 $0x7FF8, v15  }
0x108: {  	v11 =	vld [tilespmem:$0xB6D0];
	v10 =	vor.u32 v1, v10  }
0x109: {  	s25 =	sadd.s32 $0xFFFFFFF8, s22;
	v4 =	vadd.f32 v5, v4;
	v5 =	vmul.f32 v12, v7;
	v7 =	vld.idx.msk [tilespmem:v13+s15+$0x0], $0xffff  }
0x10a: {  	v13 =	vadd.s32 s25, v0;
	v12 =	vld [tilespmem:$0xB6E0]  }
0x10b: {  	s25 =	sadd.s32 $0xFFFFFFF9, s22;
	v4 =	vadd.f32 v5, v4;
	v5 =	vmul.f32 v9, v8;
	v8 =	vld.idx.msk [tilespmem:v14+s15+$0x0], $0xffff  }
0x10c: {  	v14 =	vadd.s32 s25, v0;
	v9 =	vld [tilespmem:$0xB6F0]  }
0x10d: {  	s25 =	sadd.s32 $0xFFFFFFFA, s22;
	v4 =	vadd.f32 v5, v4;
	v5 =	vmul.f32 v11, v6;
	v6 =	vld.idx.msk [tilespmem:v10+s15+$0x0], $0xffff  }
0x10e: {  	v11 =	vadd.s32 s25, v0;
	v10 =	vld [tilespmem:$0xB700]  }
0x10f: {  	s25 =	sadd.s32 $0xFFFFFFFB, s22;
	v4 =	vadd.f32 v5, v4;
	v5 =	vmul.f32 v12, v7;
	v7 =	vld.idx.msk [tilespmem:v13+s15+$0x0], $0xffff  }
0x110: {  	v13 =	vadd.s32 s25, v0;
	v12 =	vld [tilespmem:$0xB710]  }
0x111: {  	s25 =	sadd.s32 $0xFFFFFFFC, s22;
	v4 =	vadd.f32 v5, v4;
	v5 =	vmul.f32 v9, v8;
	v8 =	vld.idx.msk [tilespmem:v14+s15+$0x0], $0xffff  }
0x112: {  	v14 =	vadd.s32 s25, v0;
	v9 =	vld [tilespmem:$0xB720]  }
0x113: {  	s25 =	sadd.s32 $0xFFFFFFFD, s22;
	v4 =	vadd.f32 v5, v4;
	v5 =	vmul.f32 v10, v6;
	v6 =	vld.idx.msk [tilespmem:v11+s15+$0x0], $0xffff  }
0x114: {  	v11 =	vadd.s32 s25, v0;
	v10 =	vld [tilespmem:$0xB730]  }
0x115: {  	s26 =	sadd.s32 $0xFFFFFFFF, s22;
	s25 =	sadd.s32 $0xFFFFFFFE, s22;
	v4 =	vadd.f32 v5, v4;
	v5 =	vmul.f32 v12, v7;
	v7 =	vld.idx.msk [tilespmem:v13+s15+$0x0], $0xffff  }
0x116: {  	v15 =	vadd.s32 s26, v0;
	v13 =	vadd.s32 s25, v0;
	v12 =	vld [tilespmem:$0xB740]  }
0x117: {  	v4 =	vadd.f32 v5, v4;
	v5 =	vmul.f32 v9, v8;
	v8 =	vld.idx.msk [tilespmem:v14+s15+$0x0], $0xffff;
	v9 =	vand.u32 $0x7FF8, v15  }
0x118: {  	s21 =	sadd.s32 $0xD0, s21;
	v14 =	vld [tilespmem:$0xB750];
	v9 =	vor.u32 v1, v9  }
0x119: {  	s25 =	sadd.s32 $0xFFFFFFF4, s21;
	v4 =	vadd.f32 v5, v4;
	v5 =	vmul.f32 v10, v6;
	v6 =	vld.idx.msk [tilespmem:v11+s15+$0x0], $0xffff  }
0x11a: {  	v15 =	vadd.s32 s25, v2;
	v11 =	vadd.s32 s22, v0;
	s22 =	smov.u32 s24;
	v10 =	vld [tilespmem:$0xB760]  }
0x11b: {  	v4 =	vadd.f32 v5, v4;
	v5 =	vmul.f32 v12, v7;
	v7 =	vld.idx.msk [tilespmem:v13+s15+$0x0], $0xffff;
	v12 =	vand.u32 $0x3FF8, v15  }
0x11c: {  	v13 =	vld [tilespmem:$0xB770];
	v12 =	vor.u32 v3, v12  }
0x11d: {  	s25 =	sadd.s32 $0xFFFFFFF5, s21;
	v4 =	vadd.f32 v5, v4;
	v5 =	vmul.f32 v14, v8;
	v8 =	vld.idx.msk [tilespmem:v9+s15+$0x0], $0xffff  }
0x11e: {  	v14 =	vadd.s32 s25, v2;
	v9 =	vld [tilespmem:$0xB780]  }
0x11f: {  	s25 =	sadd.s32 $0xFFFFFFF6, s21;
	v4 =	vadd.f32 v5, v4;
	v5 =	vmul.f32 v10, v6;
	v6 =	vld.idx.msk [tilespmem:v11+s15+$0x0], $0xffff  }
0x120: {  	v11 =	vadd.s32 s25, v2;
	v10 =	vld [tilespmem:$0xB790]  }
0x121: {  	s25 =	sadd.s32 $0xFFFFFFF7, s21;
	v4 =	vadd.f32 v5, v4;
	v5 =	vmul.f32 v13, v7;
	v7 =	vld.idx.msk [tilespmem:v12+s13+$0x0], $0xffff  }
0x122: {  	v13 =	vadd.s32 s25, v2;
	v12 =	vld [tilespmem:$0xB7A0]  }
0x123: {  	s25 =	sadd.s32 $0xFFFFFFF8, s21;
	v4 =	vadd.f32 v5, v4;
	v5 =	vmul.f32 v9, v8;
	v8 =	vld.idx.msk [tilespmem:v14+s13+$0x0], $0xffff  }
0x124: {  	v14 =	vadd.s32 s25, v2;
	v9 =	vld [tilespmem:$0xB7B0]  }
0x125: {  	s25 =	sadd.s32 $0xFFFFFFF9, s21;
	v4 =	vadd.f32 v5, v4;
	v5 =	vmul.f32 v10, v6;
	v6 =	vld.idx.msk [tilespmem:v11+s13+$0x0], $0xffff  }
0x126: {  	v11 =	vadd.s32 s25, v2;
	v10 =	vld [tilespmem:$0xB7C0]  }
0x127: {  	s25 =	sadd.s32 $0xFFFFFFFA, s21;
	v4 =	vadd.f32 v5, v4;
	v5 =	vmul.f32 v12, v7;
	v7 =	vld.idx.msk [tilespmem:v13+s13+$0x0], $0xffff  }
0x128: {  	v13 =	vadd.s32 s25, v2;
	v12 =	vld [tilespmem:$0xB7D0]  }
0x129: {  	s26 =	sadd.s32 $0xFFFFFFFC, s21;
	s25 =	sadd.s32 $0xFFFFFFFB, s21;
	v4 =	vadd.f32 v5, v4;
	v5 =	vmul.f32 v9, v8;
	v8 =	vld.idx.msk [tilespmem:v14+s13+$0x0], $0xffff  }
0x12a: {  	v15 =	vadd.s32 s26, v2;
	v14 =	vadd.s32 s25, v2;
	v9 =	vld [tilespmem:$0xB7E0]  }
0x12b: {  	v4 =	vadd.f32 v5, v4;
	v5 =	vmul.f32 v10, v6;
	v6 =	vld.idx.msk [tilespmem:v11+s13+$0x0], $0xffff;
	v10 =	vand.u32 $0x3FF8, v15  }
0x12c: {  	v11 =	vld [tilespmem:$0xB7F0];
	v10 =	vor.u32 v3, v10  }
0x12d: {  	s25 =	sadd.s32 $0xFFFFFFFD, s21;
	v4 =	vadd.f32 v5, v4;
	v5 =	vmul.f32 v12, v7;
	v7 =	vld.idx.msk [tilespmem:v13+s13+$0x0], $0xffff  }
0x12e: {  	v13 =	vadd.s32 s25, v2;
	v12 =	vld [tilespmem:$0xB800]  }
0x12f: {  	s25 =	sadd.s32 $0xFFFFFFFE, s21;
	v4 =	vadd.f32 v5, v4;
	v5 =	vmul.f32 v9, v8;
	v8 =	vld.idx.msk [tilespmem:v14+s13+$0x0], $0xffff  }
0x130: {  	v14 =	vadd.s32 s25, v2;
	v9 =	vld [tilespmem:$0xB810]  }
0x131: {  	s25 =	sadd.s32 $0xFFFFFFFF, s21;
	v4 =	vadd.f32 v5, v4;
	v5 =	vmul.f32 v11, v6;
	v6 =	vld.idx.msk [tilespmem:v10+s13+$0x0], $0xffff  }
0x132: {  	v11 =	vadd.s32 s25, v2;
	v10 =	vld [tilespmem:$0xB820]  }
0x133: {  	v4 =	vadd.f32 v5, v4;
	v5 =	vmul.f32 v12, v7;
	v7 =	vld.idx.msk [tilespmem:v13+s13+$0x0], $0xffff  }
0x134: {  	v13 =	vadd.s32 s21, v2;
	v12 =	vld [tilespmem:$0xB830]  }
0x135: {  	v4 =	vadd.f32 v5, v4;
	v5 =	vmul.f32 v9, v8;
	v8 =	vld.idx.msk [tilespmem:v14+s13+$0x0], $0xffff  }
0x136: {  	v9 =	vld [tilespmem:$0xB840]  }
0x137: {  	v4 =	vadd.f32 v5, v4;
	v5 =	vmul.f32 v10, v6;
	v6 =	vld.idx.msk [tilespmem:v11+s13+$0x0], $0xffff  }
0x138: {  	v10 =	vld [tilespmem:$0xB850]  }
0x139: {  	v4 =	vadd.f32 v5, v4;
	v5 =	vmul.f32 v12, v7;
	v7 =	vld.idx.msk [tilespmem:v13+s13+$0x0], $0xffff  }
0x13a: {  	v11 =	vld [tilespmem:$0xB860]  }
0x13b: {  	v4 =	vadd.f32 v5, v4;
	v5 =	vmul.f32 v9, v8;
	_ =	sdelay $0x1  }
0x13c: {  	v4 =	vadd.f32 v5, v4;
	v5 =	vmul.f32 v10, v6;
	_ =	sdelay $0x1  }
0x13d: {  	v4 =	vadd.f32 v5, v4;
	v5 =	vmul.f32 v11, v7;
	_ =	sdelay $0x1  }
0x13e: {  	v4 =	vadd.f32 v5, v4;
	_ =	sdelay $0x1  }
0x13f: {  	v4 =	vsub.f32 $0.0e+00, v4;
	_ =	sdelay $0x1  }
0x140: {  	v4 =	vmul.f32 $1.442695020e+00, v4;
	_ =	sdelay $0x1  }
0x141: {  	(erf) = vpow2.f32 v4;
	_ =	sdelay $0x8  }
0x142: {  	v4 =	vpop (erf)  }
0x143: {  	v4 =	vadd.f32 $1.000000000e+00, v4;
	_ =	sdelay $0x1  }
.Ltmp0:
0x144: {  	(erf) = vrcp.f32 v4;
	(pc) =	sbr.rel @p0 .LBB2_2-.Ltmp0, $2  }
0x145: {  	_ =	sdelay $0x2  }
0x146: {  	s24 =	sadd.s32 $0x1A0, s24;
	s25 =	sadd.s32 $0xFFFFFFE7, s22  }
0x147: {  	_ = 	snop  }
0x148: {  	v4 =	vadd.s32 s25, v0  }
0x149: {  	v4 =	vand.u32 $0x7FF8, v4  }
0x14a: {  	s24 =	sadd.s32 $0xFFFFFFE8, s22;
	v4 =	vor.u32 v1, v4  }
0x14b: {  	s23 =	sadd.s32 $0x10, s23;
	v5 =	vadd.s32 s24, v0;
	v6 =	vpop (erf)  }
0x14c: {  	s26 =	sadd.s32 $0xFFFFFFE9, s22;
	[tilespmem:s23+$0x0] =	vst v6  }
0x14d: {  	v7 =	vadd.s32 s26, v0;
	v6 =	vld [tilespmem:$0xB870]  }
0x14e: {  	s28 =	sadd.s32 $0xFFFFFFEA, s22;
	v8 =	vld [tilespmem:$0xB600]  }
0x14f: {  	v9 =	vadd.s32 s28, v0;
	v4 =	vld.idx.msk [tilespmem:v4+s15+$0x0], $0xffff  }
0x150: {  	s29 =	sadd.s32 $0xFFFFFFEB, s22;
	v5 =	vld.idx.msk [tilespmem:v5+s15+$0x0], $0xffff  }
0x151: {  	v11 =	vadd.s32 s29, v0;
	v10 =	vld [tilespmem:$0xB610]  }
0x152: {  	s30 =	sadd.s32 $0xFFFFFFEC, s22;
	v7 =	vld.idx.msk [tilespmem:v7+s15+$0x0], $0xffff  }
0x153: {  	v13 =	vadd.s32 s30, v0;
	v12 =	vld [tilespmem:$0xB620]  }
0x154: {  	s31 =	sadd.s32 $0xFFFFFFED, s22;
	v50 =	vld.idx.msk [tilespmem:v9+s15+$0x0], $0xffff;
	v4 =	vmul.f32 v8, v4  }
0x155: {  	v14 =	vadd.s32 s31, v0;
	v51 =	vld [tilespmem:$0xB630]  }
0x156: {  	s25 =	sadd.s32 $0xFFFFFFEE, s22;
	v52 =	vld.idx.msk [tilespmem:v11+s15+$0x0], $0xffff;
	v5 =	vmul.f32 v10, v5;
	v4 =	vadd.f32 v4, v6  }
0x157: {  	s26 =	sadd.s32 $0xFFFFFFEF, s22;
	v54 =	vadd.s32 s25, v0;
	v53 =	vld [tilespmem:$0xB640]  }
0x158: {  	v15 =	vadd.s32 s26, v0;
	v55 =	vld.idx.msk [tilespmem:v13+s15+$0x0], $0xffff;
	v4 =	vadd.f32 v5, v4;
	v5 =	vmul.f32 v12, v7  }
0x159: {  	v56 =	vand.u32 $0x7FF8, v15;
	v57 =	vld [tilespmem:$0xB650]  }
0x15a: {  	v58 =	vld.idx.msk [tilespmem:v14+s15+$0x0], $0xffff;
	v12 =	vor.u32 v1, v56;
	v4 =	vadd.f32 v5, v4;
	v5 =	vmul.f32 v51, v50  }
0x15b: {  	s28 =	sadd.s32 $0xFFFFFFF0, s22;
	v59 =	vld [tilespmem:$0xB660]  }
0x15c: {  	v60 =	vadd.s32 s28, v0;
	v61 =	vld.idx.msk [tilespmem:v54+s15+$0x0], $0xffff;
	v4 =	vadd.f32 v5, v4;
	v5 =	vmul.f32 v53, v52  }
0x15d: {  	s29 =	sadd.s32 $0xFFFFFFF1, s22;
	v62 =	vld [tilespmem:$0xB670]  }
0x15e: {  	v63 =	vadd.s32 s29, v0;
	v17 =	vld [tilespmem:$0xB680];
	v4 =	vadd.f32 v5, v4;
	v5 =	vmul.f32 v57, v55  }
0x15f: {  	s30 =	sadd.s32 $0xFFFFFFF2, s22;
	v16 =	vld.idx.msk [tilespmem:v12+s15+$0x0], $0xffff  }
0x160: {  	v18 =	vadd.s32 s30, v0;
	v20 =	vld [tilespmem:$0xB690];
	v4 =	vadd.f32 v5, v4;
	v5 =	vmul.f32 v59, v58  }
0x161: {  	s31 =	sadd.s32 $0xFFFFFFF3, s22;
	v19 =	vld.idx.msk [tilespmem:v60+s15+$0x0], $0xffff  }
0x162: {  	v21 =	vadd.s32 s31, v0;
	v23 =	vld [tilespmem:$0xB6A0];
	v4 =	vadd.f32 v5, v4;
	v5 =	vmul.f32 v62, v61  }
0x163: {  	s25 =	sadd.s32 $0xFFFFFFF4, s22;
	v22 =	vld.idx.msk [tilespmem:v63+s15+$0x0], $0xffff  }
0x164: {  	v24 =	vadd.s32 s25, v0;
	v26 =	vld [tilespmem:$0xB6B0];
	v4 =	vadd.f32 v5, v4;
	v5 =	vmul.f32 v17, v16  }
0x165: {  	s26 =	sadd.s32 $0xFFFFFFF5, s22;
	v25 =	vld.idx.msk [tilespmem:v18+s15+$0x0], $0xffff  }
0x166: {  	s28 =	sadd.s32 $0xFFFFFFF6, s22;
	v27 =	vadd.s32 s26, v0;
	v29 =	vld [tilespmem:$0xB6C0];
	v4 =	vadd.f32 v5, v4;
	v5 =	vmul.f32 v20, v19  }
0x167: {  	s29 =	sadd.s32 $0xFFFFFFF7, s22;
	v30 =	vadd.s32 s28, v0;
	v28 =	vld.idx.msk [tilespmem:v21+s15+$0x0], $0xffff  }
0x168: {  	v31 =	vadd.s32 s29, v0;
	v34 =	vld [tilespmem:$0xB6D0];
	v4 =	vadd.f32 v5, v4;
	v5 =	vmul.f32 v23, v22  }
0x169: {  	v33 =	vand.u32 $0x7FF8, v31;
	v32 =	vld.idx.msk [tilespmem:v24+s15+$0x0], $0xffff  }
0x16a: {  	v36 =	vld [tilespmem:$0xB6E0];
	v10 =	vor.u32 v1, v33;
	v4 =	vadd.f32 v5, v4;
	v5 =	vmul.f32 v26, v25  }
0x16b: {  	s30 =	sadd.s32 $0xFFFFFFF8, s22;
	v35 =	vld.idx.msk [tilespmem:v27+s15+$0x0], $0xffff  }
0x16c: {  	v37 =	vadd.s32 s30, v0;
	v39 =	vld [tilespmem:$0xB6F0];
	v4 =	vadd.f32 v5, v4;
	v5 =	vmul.f32 v29, v28  }
0x16d: {  	s31 =	sadd.s32 $0xFFFFFFF9, s22;
	v38 =	vld.idx.msk [tilespmem:v30+s15+$0x0], $0xffff  }
0x16e: {  	s25 =	sadd.s32 $0xFFFFFFFA, s22;
	v40 =	vadd.s32 s31, v0;
	v42 =	vld [tilespmem:$0xB700];
	v4 =	vadd.f32 v5, v4;
	v5 =	vmul.f32 v34, v32  }
0x16f: {  	v43 =	vadd.s32 s25, v0;
	v41 =	vld.idx.msk [tilespmem:v10+s15+$0x0], $0xffff  }
0x170: {  	v45 =	vld [tilespmem:$0xB710];
	v4 =	vadd.f32 v5, v4;
	v5 =	vmul.f32 v36, v35  }
0x171: {  	s26 =	sadd.s32 $0xFFFFFFFB, s22;
	v44 =	vld.idx.msk [tilespmem:v37+s15+$0x0], $0xffff  }
0x172: {  	s28 =	sadd.s32 $0xFFFFFFFC, s22;
	v46 =	vadd.s32 s26, v0;
	v48 =	vld [tilespmem:$0xB720];
	v4 =	vadd.f32 v5, v4;
	v5 =	vmul.f32 v39, v38  }
0x173: {  	v49 =	vadd.s32 s28, v0;
	v47 =	vld.idx.msk [tilespmem:v40+s15+$0x0], $0xffff  }
0x174: {  	s29 =	sadd.s32 $0xFFFFFFFD, s22;
	v50 =	vld.idx.msk [tilespmem:v43+s15+$0x0], $0xffff;
	v4 =	vadd.f32 v5, v4;
	v5 =	vmul.f32 v42, v41  }
0x175: {  	v51 =	vld [tilespmem:$0xB730];
	v52 =	vadd.s32 s29, v0  }
0x176: {  	s30 =	sadd.s32 $0xFFFFFFFE, s22;
	s31 =	sadd.s32 $0xFFFFFFFF, s22;
	v54 =	vld [tilespmem:$0xB740];
	v4 =	vadd.f32 v5, v4;
	v5 =	vmul.f32 v45, v44  }
0x177: {  	v56 =	vadd.s32 s31, v0;
	v53 =	vld.idx.msk [tilespmem:v46+s15+$0x0], $0xffff;
	v55 =	vadd.s32 s30, v0  }
0x178: {  	v57 =	vld.idx.msk [tilespmem:v49+s15+$0x0], $0xffff;
	v58 =	vand.u32 $0x7FF8, v56;
	v4 =	vadd.f32 v5, v4;
	v5 =	vmul.f32 v48, v47  }
0x179: {  	s21 =	sadd.s32 $0xD0, s21;
	v59 =	vld [tilespmem:$0xB750];
	v9 =	vor.u32 v1, v58  }
0x17a: {  	s25 =	sadd.s32 $0xFFFFFFF4, s21;
	v60 =	vld.idx.msk [tilespmem:v52+s15+$0x0], $0xffff;
	v4 =	vadd.f32 v5, v4;
	v5 =	vmul.f32 v51, v50  }
0x17b: {  	v63 =	vadd.s32 s25, v2;
	v61 =	vld [tilespmem:$0xB760];
	v62 =	vadd.s32 s22, v0  }
0x17c: {  	v18 =	vld.idx.msk [tilespmem:v55+s15+$0x0], $0xffff;
	v19 =	vand.u32 $0x3FF8, v63;
	v4 =	vadd.f32 v5, v4;
	v5 =	vmul.f32 v54, v53  }
0x17d: {  	v20 =	vld [tilespmem:$0xB770];
	v12 =	vor.u32 v3, v19  }
0x17e: {  	v21 =	vld.idx.msk [tilespmem:v9+s15+$0x0], $0xffff;
	v4 =	vadd.f32 v5, v4;
	v5 =	vmul.f32 v59, v57  }
0x17f: {  	s26 =	sadd.s32 $0xFFFFFFF5, s21;
	v22 =	vld [tilespmem:$0xB780]  }
0x180: {  	v24 =	vld.idx.msk [tilespmem:v62+s15+$0x0], $0xffff;
	v23 =	vadd.s32 s26, v2;
	v4 =	vadd.f32 v5, v4;
	v5 =	vmul.f32 v61, v60  }
0x181: {  	s28 =	sadd.s32 $0xFFFFFFF6, s21;
	v25 =	vld [tilespmem:$0xB790]  }
0x182: {  	v26 =	vadd.s32 s28, v2;
	v27 =	vld.idx.msk [tilespmem:v12+s13+$0x0], $0xffff;
	v4 =	vadd.f32 v5, v4;
	v5 =	vmul.f32 v20, v18  }
0x183: {  	s29 =	sadd.s32 $0xFFFFFFF7, s21;
	v28 =	vld [tilespmem:$0xB7A0]  }
0x184: {  	v31 =	vld [tilespmem:$0xB7B0];
	v29 =	vadd.s32 s29, v2;
	v4 =	vadd.f32 v5, v4;
	v5 =	vmul.f32 v22, v21  }
0x185: {  	s30 =	sadd.s32 $0xFFFFFFF8, s21;
	v30 =	vld.idx.msk [tilespmem:v23+s13+$0x0], $0xffff  }
0x186: {  	s31 =	sadd.s32 $0xFFFFFFF9, s21;
	v32 =	vadd.s32 s30, v2;
	v34 =	vld [tilespmem:$0xB7C0];
	v4 =	vadd.f32 v5, v4;
	v5 =	vmul.f32 v25, v24  }
0x187: {  	v33 =	vld.idx.msk [tilespmem:v26+s13+$0x0], $0xffff;
	v35 =	vadd.s32 s31, v2  }
0x188: {  	s24 =	sadd.s32 $0xFFFFFFFA, s21;
	v37 =	vld [tilespmem:$0xB7D0];
	v4 =	vadd.f32 v5, v4;
	v5 =	vmul.f32 v28, v27  }
0x189: {  	v36 =	vld.idx.msk [tilespmem:v29+s13+$0x0], $0xffff;
	v38 =	vadd.s32 s24, v2  }
0x18a: {  	s25 =	sadd.s32 $0xFFFFFFFB, s21;
	v40 =	vld [tilespmem:$0xB7E0];
	s26 =	sadd.s32 $0xFFFFFFFC, s21;
	v4 =	vadd.f32 v5, v4;
	v5 =	vmul.f32 v31, v30  }
0x18b: {  	v39 =	vld.idx.msk [tilespmem:v32+s13+$0x0], $0xffff;
	v41 =	vadd.s32 s25, v2;
	v42 =	vadd.s32 s26, v2  }
0x18c: {  	v43 =	vld.idx.msk [tilespmem:v35+s13+$0x0], $0xffff;
	v44 =	vand.u32 $0x3FF8, v42;
	v4 =	vadd.f32 v5, v4;
	v5 =	vmul.f32 v34, v33  }
0x18d: {  	v45 =	vld [tilespmem:$0xB7F0];
	v10 =	vor.u32 v3, v44  }
0x18e: {  	v46 =	vld.idx.msk [tilespmem:v38+s13+$0x0], $0xffff;
	v4 =	vadd.f32 v5, v4;
	v5 =	vmul.f32 v37, v36  }
0x18f: {  	s28 =	sadd.s32 $0xFFFFFFFD, s21;
	v47 =	vld [tilespmem:$0xB800]  }
0x190: {  	v48 =	vadd.s32 s28, v2;
	v49 =	vld.idx.msk [tilespmem:v41+s13+$0x0], $0xffff;
	v4 =	vadd.f32 v5, v4;
	v5 =	vmul.f32 v40, v39  }
0x191: {  	s29 =	sadd.s32 $0xFFFFFFFE, s21;
	v50 =	vld [tilespmem:$0xB810]  }
0x192: {  	v51 =	vadd.s32 s29, v2;
	v52 =	vld.idx.msk [tilespmem:v10+s13+$0x0], $0xffff;
	v4 =	vadd.f32 v5, v4;
	v5 =	vmul.f32 v45, v43  }
0x193: {  	s30 =	sadd.s32 $0xFFFFFFFF, s21;
	v53 =	vld [tilespmem:$0xB820]  }
0x194: {  	v56 =	vld [tilespmem:$0xB830];
	v54 =	vadd.s32 s30, v2;
	v4 =	vadd.f32 v5, v4;
	v5 =	vmul.f32 v47, v46  }
0x195: {  	v55 =	vld.idx.msk [tilespmem:v48+s13+$0x0], $0xffff  }
0x196: {  	v57 =	vadd.s32 s21, v2;
	v59 =	vld [tilespmem:$0xB840];
	v4 =	vadd.f32 v5, v4;
	v5 =	vmul.f32 v50, v49  }
0x197: {  	v58 =	vld.idx.msk [tilespmem:v51+s13+$0x0], $0xffff  }
0x198: {  	v61 =	vld [tilespmem:$0xB850];
	v4 =	vadd.f32 v5, v4;
	v5 =	vmul.f32 v53, v52  }
0x199: {  	v60 =	vld.idx.msk [tilespmem:v54+s13+$0x0], $0xffff  }
0x19a: {  	v63 =	vld [tilespmem:$0xB860];
	v4 =	vadd.f32 v5, v4;
	v5 =	vmul.f32 v56, v55  }
0x19b: {  	v62 =	vld.idx.msk [tilespmem:v57+s13+$0x0], $0xffff  }
0x19c: {  	v4 =	vadd.f32 v5, v4;
	v5 =	vmul.f32 v59, v58;
	_ =	sdelay $0x1  }
0x19d: {  	v4 =	vadd.f32 v5, v4;
	v5 =	vmul.f32 v61, v60;
	_ =	sdelay $0x1  }
0x19e: {  	v4 =	vadd.f32 v5, v4;
	v5 =	vmul.f32 v63, v62;
	_ =	sdelay $0x1  }
0x19f: {  	v4 =	vadd.f32 v5, v4;
	_ =	sdelay $0x1  }
0x1a0: {  	v4 =	vsub.f32 $0.0e+00, v4;
	_ =	sdelay $0x1  }
0x1a1: {  	v4 =	vmul.f32 $1.442695020e+00, v4;
	_ =	sdelay $0x1  }
0x1a2: {  	(erf) = vpow2.f32 v4;
	_ =	sdelay $0x8  }
0x1a3: {  	v4 =	vpop (erf)  }
0x1a4: {  	v4 =	vadd.f32 $1.000000000e+00, v4;
	_ =	sdelay $0x1  }
0x1a5: {  	(erf) = vrcp.f32 v4;
	_ =	sdelay $0x7  }
0x1a6: {  	s20 =	sadd.s32 $0x1, s20  }
0x1a7: {  	p0 =	sne.s32 s20, s10;
	s31 =	sadd.s32 $0x10, s23;
	v4 =	vpop (erf)  }
.Ltmp1:
0x1a8: {  	[tilespmem:s31+$0x0] =	vst v4;
	(pc) =	sbr.rel @p0 .LBB2_1-.Ltmp1, $4  }
0x1a9: {  	[hbm4b:s9+s2] =	stream.linear.scatter [tilespmem:s18], [sflag:$0x4], $0x200, $0x38;
	[tilespmem:$0xBA80] =	vst v63  }
0x1aa: {  	_ =	swait.ge [sflag:s19], $0x200  }
0x1ab: {  	[sflag:s19] =	ssyncset.done $0x0  }
0x1ac: {  	[sflag:s19] =	ssyncadd.s32 $0xFFFFFE00  }
0x1ad: {  	_ =	sfence.sel $0x180000  }
0x1ae: {  	[bflag:$0x0] =	sbarrier.arrive $0xFFFF  }
0x1af: {  	p0 =	sne.s32 s0, $0x0;
	_ =	strace $0x90000047  }
0x1b0: {  	s0 =	sadd.s32 @!p0 $0x100000, s1;
	[bflag:$0x2] =	sbarrier.arrive $0xFFFF  }
0x1b1: {  	[sflag:s0] =	ssyncadd.tile.s32 @!p0 $0x1;
	_ =	shalt  }
.Lfunc_end2:
_tile_overlayer_lowered:
.L_overlay_start_2:
0x1b2: {  	(tag) =	ssettag $0x2  }
0x1b3: {  	s0 =	rddreg [dreg:$0x0];
	s2 =	stileid.u32  }
0x1b4: {  	s1 =	rddreg [dreg:$0x1];
	p0 =	sne.s32 s2, $0x0  }
0x1b5: {  	s3 =	rddreg [dreg:$0x2];
	[bflag:$0x3] =	sbarrier.arrive $0xFFFF;
	s2 =	simm.s32 @!p0 $0x1C04  }
0x1b6: {  	[timem:s3], [sflag:s2] =	dma.local @!p0 [hbm:s0], s1  }
0x1b7: {  	s0 =	simm.s32 @!p0 $0x4  }
0x1b8: {  	_ =	swait.ge @!p0 [sflag:s0], s1  }
0x1b9: {  	s1 =	ssub.s32 @!p0 $0x0, s1;
	[sflag:s0] =	ssyncset.done @!p0 $0x0  }
0x1ba: {  	[sflag:s0] =	ssyncadd.s32 @!p0 s1  }
0x1bb: {  	[bflag:$0x3] =	sbarrier.arrive $0xFFFF  }
0x1bc: {  	_ =	shalt  }

</sc_bundles>
